<compile_context>
chip_gen: v7x
topology: tpu7x:2x2x1
jax: 0.10.2.dev20260603
libtpu: 0.0.44.dev20260713+nightly
codegen_flags: <defaults>
</compile_context>

<pallas_src>
import jax
import jax.numpy as jnp
import numpy as np
from jax import lax
from jax.experimental import pallas as pl
from jax.experimental.pallas import tpu as pltpu

N = 8192
D = 384
K = 5
KP = 8
HIDDEN = 128
WALK_STEPS = 3
BLK = 256
NEG_INF = float("-inf")


def _graph_body(embn_ref, emb_ref, qv_ref, w1_ref, b1_ref, w2_ref,
                b2_ref, nbr_ref, amps_ref):
    i = pl.program_id(0)

    nrows = embn_ref[pl.ds(i * BLK, BLK), :]
    sims = lax.dot_general(nrows, embn_ref[...],
                           (((1,), (1,)), ((), ())),
                           preferred_element_type=jnp.float32)
    colidx = lax.broadcasted_iota(jnp.int32, (BLK, N), 1)
    work = sims
    picked = []
    for t in range(K + 1):
        m = jnp.max(work, axis=1, keepdims=True)
        am = jnp.min(jnp.where(work == m, colidx, N), axis=1,
                     keepdims=True)
        picked.append(am)
        if t < K:
            work = jnp.where(colidx == am, NEG_INF, work)
    nbr = jnp.concatenate(picked[1:], axis=1)
    nbr_ref[...] = jnp.concatenate(
        [nbr, jnp.zeros((BLK, KP - K), jnp.int32)], axis=1)

    qrow = jnp.broadcast_to(qv_ref[...], (BLK, D))
    inp = jnp.concatenate([emb_ref[...], qrow], axis=1)
    h = lax.dot_general(inp, w1_ref[...], (((1,), (1,)), ((), ())),
                        preferred_element_type=jnp.float32) + b1_ref[...]
    h = jnp.maximum(h, 0.0)
    amps = lax.dot_general(h.astype(jnp.bfloat16), w2_ref[...],
                           (((1,), (1,)), ((), ())),
                           preferred_element_type=jnp.float32) + b2_ref[...]
    amps_ref[...] = amps


def _build_graph(emb, qv, W1, b1, W2, b2):
    embn = emb / jnp.maximum(jnp.linalg.norm(emb, axis=1, keepdims=True),
                             1e-12)
    w2p = jnp.zeros((KP, HIDDEN), jnp.float32).at[:K].set(W2)
    b2p = jnp.zeros((1, KP), jnp.float32).at[0, :K].set(b2)
    nbr, amps = pl.pallas_call(
        _graph_body,
        grid=(N // BLK,),
        in_specs=[
            pl.BlockSpec((N, D), lambda i: (0, 0)),
            pl.BlockSpec((BLK, D), lambda i: (i, 0)),
            pl.BlockSpec((1, D), lambda i: (0, 0)),
            pl.BlockSpec((HIDDEN, 2 * D), lambda i: (0, 0)),
            pl.BlockSpec((1, HIDDEN), lambda i: (0, 0)),
            pl.BlockSpec((KP, HIDDEN), lambda i: (0, 0)),
            pl.BlockSpec((1, KP), lambda i: (0, 0)),
        ],
        out_specs=[
            pl.BlockSpec((BLK, KP), lambda i: (i, 0)),
            pl.BlockSpec((BLK, KP), lambda i: (i, 0)),
        ],
        out_shape=[
            jax.ShapeDtypeStruct((N, KP), jnp.int32),
            jax.ShapeDtypeStruct((N, KP), jnp.float32),
        ],
    )(embn.astype(jnp.bfloat16), emb.astype(jnp.bfloat16),
      qv.reshape(1, D).astype(jnp.bfloat16), W1.astype(jnp.bfloat16),
      b1.reshape(1, HIDDEN), w2p.astype(jnp.bfloat16), b2p)
    return nbr[:, :K], amps[:, :K]


def _walk(amps, nbr):
    norms = jnp.linalg.norm(amps, axis=1)
    bad = (norms == 0) | jnp.isnan(norms)
    amps = jnp.where(bad[:, None], jnp.ones_like(amps), amps)
    outer = amps[:, :, None] * amps[:, None, :]
    onorm = jnp.sqrt(jnp.sum(outer * outer, axis=(1, 2)))
    coins = outer / onorm[:, None, None]
    init = jnp.ones((N, K), dtype=jnp.float32) / np.sqrt(N * K)
    state = init
    col = jnp.broadcast_to(jnp.arange(K)[None, :], (N, K))
    for _ in range(WALK_STEPS):
        sp = jnp.einsum('nij,nj->ni', coins, state)
        new_state = jnp.zeros((N, K), dtype=jnp.float32).at[nbr, col].add(sp)
        nrm = jnp.linalg.norm(new_state)
        state = jnp.where(nrm > 0, new_state / jnp.maximum(nrm, 1e-30), init)
    return jnp.abs(state).sum(axis=1)


def kernel(emb, qv, W1, b1, W2, b2):
    nbr, amps = _build_graph(emb, qv, W1, b1, W2, b2)
    logits = _walk(amps, nbr)
    order = jnp.argsort(-logits)
    return logits, order

# --- scband reference (transcript-rebuilt; emitter-appended) ---
"""Pipeline reference for scband-quantum-walk-retriever-86543591014913 (READ-ONLY COPY).

The authoritative reference and input builder live on the scoring server;
editing this copy changes nothing except your own understanding.
"""

import jax, jax.numpy as jnp
import numpy as np

N = 8192
D = 384
K = 5
HIDDEN = 128
WALK_STEPS = 3


def setup_inputs(seed: int = 0) -> dict:
    key = jax.random.key(seed)
    ks = jax.random.split(key, 4)
    emb = jax.random.normal(ks[0], (N, D), dtype=jnp.float32)
    qv = jax.random.normal(ks[1], (D,), dtype=jnp.float32)
    W1 = jax.random.normal(ks[2], (HIDDEN, 2 * D), dtype=jnp.float32) * (1.0 / np.sqrt(2 * D))
    b1 = jnp.zeros((HIDDEN,), dtype=jnp.float32)
    W2 = jax.random.normal(ks[3], (K, HIDDEN), dtype=jnp.float32) * (1.0 / np.sqrt(HIDDEN))
    b2 = jnp.zeros((K,), dtype=jnp.float32)
    return {"emb": emb, "qv": qv, "W1": W1, "b1": b1, "W2": W2, "b2": b2}


def _coins(emb, qv, W1, b1, W2, b2):
    # coin_net applied per node: input = cat([emb[i], qv]) -> Linear -> ReLU -> Linear -> amps[k]
    inp = jnp.concatenate([emb, jnp.broadcast_to(qv[None, :], emb.shape)], axis=1)  # [N, 2D]
    h = jax.nn.relu(inp @ W1.T + b1)
    amps = h @ W2.T + b2  # [N, K]
    norms = jnp.linalg.norm(amps, axis=1)
    bad = (norms == 0) | jnp.isnan(norms)
    amps = jnp.where(bad[:, None], jnp.ones_like(amps), amps)  # fallback to uniform amps
    outer = amps[:, :, None] * amps[:, None, :]  # [N, K, K]
    onorm = jnp.sqrt(jnp.sum(outer * outer, axis=(1, 2)))  # Frobenius norm per node (= ||amps||^2 > 0)
    coins = outer / onorm[:, None, None]
    return coins


def reference(emb, qv, W1, b1, W2, b2):
    # build_graph: cosine similarity + top-k neighbors (exclude self = top-1)
    embn = emb / jnp.maximum(jnp.linalg.norm(emb, axis=1, keepdims=True), 1e-12)
    sim = embn @ embn.T  # [N, N]
    _, nbr_full = jax.lax.top_k(sim, K + 1)
    nbrs = nbr_full[:, 1:K + 1]  # [N, K]

    # quantum_walk (coin matrices are real since coin = outer(a,a)/||outer||; state stays real)
    coins = _coins(emb, qv, W1, b1, W2, b2)  # [N, K, K]
    init = jnp.ones((N, K), dtype=jnp.float32) / np.sqrt(N * K)
    state = init
    col = jnp.broadcast_to(jnp.arange(K)[None, :], (N, K))
    for _ in range(WALK_STEPS):
        sp = jnp.einsum('nij,nj->ni', coins, state)  # coin[i] @ state[i]
        new_state = jnp.zeros((N, K), dtype=jnp.float32).at[nbrs, col].add(sp)
        nrm = jnp.linalg.norm(new_state)
        state = jnp.where(nrm > 0, new_state / jnp.maximum(nrm, 1e-30), init)
    logits = jnp.abs(state).sum(axis=1)  # [N]
    order = jnp.argsort(-logits)  # sorted(enumerate(logits), reverse=True)
    return logits, order

if __name__ == "__main__":
    import jax
    _d = setup_inputs()
    print(jax.jit(kernel)(*tuple(_d.values())))

</pallas_src>

<mosaic_0001>
module attributes {stable_mosaic.version = 14 : i64} {
  func.func @_graph_body(%arg0: i32, %arg1: memref<8192x384xbf16, #tpu.memory_space<vmem>>, %arg2: memref<256x384xbf16, #tpu.memory_space<vmem>>, %arg3: memref<1x384xbf16, #tpu.memory_space<vmem>>, %arg4: memref<128x768xbf16, #tpu.memory_space<vmem>>, %arg5: memref<1x128xf32, #tpu.memory_space<vmem>>, %arg6: memref<8x128xbf16, #tpu.memory_space<vmem>>, %arg7: memref<1x8xf32, #tpu.memory_space<vmem>>, %arg8: memref<256x8xi32, #tpu.memory_space<vmem>>, %arg9: memref<256x8xf32, #tpu.memory_space<vmem>>) attributes {dimension_semantics = [#tpu.dimension_semantics<arbitrary>], iteration_bounds = array<i64: 32>, scalar_prefetch = 0 : i64, scratch_operands = 0 : i64, tpu.core_type = #tpu.core_type<tc>, window_params = [{pipeline_mode = #tpu.pipeline_mode<synchronous>, transform_indices = @transform_0, window_bounds = array<i64: 8192, 384>}, {transform_indices = @transform_1, window_bounds = array<i64: 256, 384>}, {pipeline_mode = #tpu.pipeline_mode<synchronous>, transform_indices = @transform_2, window_bounds = array<i64: 1, 384>}, {pipeline_mode = #tpu.pipeline_mode<synchronous>, transform_indices = @transform_3, window_bounds = array<i64: 128, 768>}, {pipeline_mode = #tpu.pipeline_mode<synchronous>, transform_indices = @transform_4, window_bounds = array<i64: 1, 128>}, {pipeline_mode = #tpu.pipeline_mode<synchronous>, transform_indices = @transform_5, window_bounds = array<i64: 8, 128>}, {pipeline_mode = #tpu.pipeline_mode<synchronous>, transform_indices = @transform_6, window_bounds = array<i64: 1, 8>}, {transform_indices = @transform_7, window_bounds = array<i64: 256, 8>}, {transform_indices = @transform_8, window_bounds = array<i64: 256, 8>}]} {
    %mul3A = arith.constant 256 : i32
    %mul3A_0 = arith.muli %arg0, %mul3A : i32
    %get3A = arith.index_cast %mul3A_0 : i32 to index
    %get3A_1 = arith.constant 0 : index
    %get3A_2 = vector.load %arg1[%get3A, %get3A_1] : memref<8192x384xbf16, #tpu.memory_space<vmem>>, vector<256x384xbf16>
    %get3A_3 = arith.constant 0 : index
    %get3A_4 = arith.constant 0 : index
    %get3A_5 = vector.load %arg1[%get3A_3, %get3A_4] : memref<8192x384xbf16, #tpu.memory_space<vmem>>, vector<8192x384xbf16>
    %dot_general3A = arith.constant dense<0.000000e+00> : vector<256x8192xf32>
    %dot_general3A_6 = tpu.matmul %get3A_2, %get3A_5, %dot_general3A {dimension_numbers = #tpu.dot_dimension_numbers<[1], [1], [0], [0], [0, 0, 1, 0], [], []>, transpose_lhs_hint = false} : vector<256x384xbf16>, vector<8192x384xbf16>, vector<256x8192xf32> -> vector<256x8192xf32>
    %iota3A = tpu.iota {dimensions = array<i32: 1>} : vector<256x8192xi32>
    %reduce_max3A = arith.constant dense<0xFF800000> : vector<256xf32>
    %reduce_max3A_7 = vector.multi_reduction <maximumf>, %dot_general3A_6, %reduce_max3A [1] : vector<256x8192xf32> to vector<256xf32>
    %broadcast_in_dim3A = vector.shape_cast %reduce_max3A_7 : vector<256xf32> to vector<256x1xf32>
    %eq3A = vector.broadcast %broadcast_in_dim3A : vector<256x1xf32> to vector<256x8192xf32>
    %eq3A_8 = arith.cmpf oeq, %dot_general3A_6, %eq3A : vector<256x8192xf32>
    %jit3A = arith.constant 8192 : i32
    %broadcast_in_dim3A_9 = vector.broadcast %jit3A : i32 to vector<256x8192xi32>
    %select_n3A = arith.select %eq3A_8, %iota3A, %broadcast_in_dim3A_9 : vector<256x8192xi1>, vector<256x8192xi32>
    %reduce_min3A = arith.constant dense<2147483647> : vector<256xi32>
    %reduce_min3A_10 = vector.multi_reduction <minsi>, %select_n3A, %reduce_min3A [1] : vector<256x8192xi32> to vector<256xi32>
    %broadcast_in_dim3A_11 = vector.shape_cast %reduce_min3A_10 : vector<256xi32> to vector<256x1xi32>
    %eq3A_12 = vector.broadcast %broadcast_in_dim3A_11 : vector<256x1xi32> to vector<256x8192xi32>
    %eq3A_13 = arith.cmpi eq, %iota3A, %eq3A_12 : vector<256x8192xi32>
    %jit3A_14 = arith.constant 0xFF800000 : f32
    %broadcast_in_dim3A_15 = vector.broadcast %jit3A_14 : f32 to vector<256x8192xf32>
    %select_n3A_16 = arith.select %eq3A_13, %broadcast_in_dim3A_15, %dot_general3A_6 : vector<256x8192xi1>, vector<256x8192xf32>
    %reduce_max3A_17 = arith.constant dense<0xFF800000> : vector<256xf32>
    %reduce_max3A_18 = vector.multi_reduction <maximumf>, %select_n3A_16, %reduce_max3A_17 [1] : vector<256x8192xf32> to vector<256xf32>
    %broadcast_in_dim3A_19 = vector.shape_cast %reduce_max3A_18 : vector<256xf32> to vector<256x1xf32>
    %eq3A_20 = vector.broadcast %broadcast_in_dim3A_19 : vector<256x1xf32> to vector<256x8192xf32>
    %eq3A_21 = arith.cmpf oeq, %select_n3A_16, %eq3A_20 : vector<256x8192xf32>
    %jit3A_22 = arith.constant 8192 : i32
    %broadcast_in_dim3A_23 = vector.broadcast %jit3A_22 : i32 to vector<256x8192xi32>
    %select_n3A_24 = arith.select %eq3A_21, %iota3A, %broadcast_in_dim3A_23 : vector<256x8192xi1>, vector<256x8192xi32>
    %reduce_min3A_25 = arith.constant dense<2147483647> : vector<256xi32>
    %reduce_min3A_26 = vector.multi_reduction <minsi>, %select_n3A_24, %reduce_min3A_25 [1] : vector<256x8192xi32> to vector<256xi32>
    %broadcast_in_dim3A_27 = vector.shape_cast %reduce_min3A_26 : vector<256xi32> to vector<256x1xi32>
    %eq3A_28 = vector.broadcast %broadcast_in_dim3A_27 : vector<256x1xi32> to vector<256x8192xi32>
    %eq3A_29 = arith.cmpi eq, %iota3A, %eq3A_28 : vector<256x8192xi32>
    %jit3A_30 = arith.constant 0xFF800000 : f32
    %broadcast_in_dim3A_31 = vector.broadcast %jit3A_30 : f32 to vector<256x8192xf32>
    %select_n3A_32 = arith.select %eq3A_29, %broadcast_in_dim3A_31, %select_n3A_16 : vector<256x8192xi1>, vector<256x8192xf32>
    %reduce_max3A_33 = arith.constant dense<0xFF800000> : vector<256xf32>
    %reduce_max3A_34 = vector.multi_reduction <maximumf>, %select_n3A_32, %reduce_max3A_33 [1] : vector<256x8192xf32> to vector<256xf32>
    %broadcast_in_dim3A_35 = vector.shape_cast %reduce_max3A_34 : vector<256xf32> to vector<256x1xf32>
    %eq3A_36 = vector.broadcast %broadcast_in_dim3A_35 : vector<256x1xf32> to vector<256x8192xf32>
    %eq3A_37 = arith.cmpf oeq, %select_n3A_32, %eq3A_36 : vector<256x8192xf32>
    %jit3A_38 = arith.constant 8192 : i32
    %broadcast_in_dim3A_39 = vector.broadcast %jit3A_38 : i32 to vector<256x8192xi32>
    %select_n3A_40 = arith.select %eq3A_37, %iota3A, %broadcast_in_dim3A_39 : vector<256x8192xi1>, vector<256x8192xi32>
    %reduce_min3A_41 = arith.constant dense<2147483647> : vector<256xi32>
    %reduce_min3A_42 = vector.multi_reduction <minsi>, %select_n3A_40, %reduce_min3A_41 [1] : vector<256x8192xi32> to vector<256xi32>
    %broadcast_in_dim3A_43 = vector.shape_cast %reduce_min3A_42 : vector<256xi32> to vector<256x1xi32>
    %eq3A_44 = vector.broadcast %broadcast_in_dim3A_43 : vector<256x1xi32> to vector<256x8192xi32>
    %eq3A_45 = arith.cmpi eq, %iota3A, %eq3A_44 : vector<256x8192xi32>
    %jit3A_46 = arith.constant 0xFF800000 : f32
    %broadcast_in_dim3A_47 = vector.broadcast %jit3A_46 : f32 to vector<256x8192xf32>
    %select_n3A_48 = arith.select %eq3A_45, %broadcast_in_dim3A_47, %select_n3A_32 : vector<256x8192xi1>, vector<256x8192xf32>
    %reduce_max3A_49 = arith.constant dense<0xFF800000> : vector<256xf32>
    %reduce_max3A_50 = vector.multi_reduction <maximumf>, %select_n3A_48, %reduce_max3A_49 [1] : vector<256x8192xf32> to vector<256xf32>
    %broadcast_in_dim3A_51 = vector.shape_cast %reduce_max3A_50 : vector<256xf32> to vector<256x1xf32>
    %eq3A_52 = vector.broadcast %broadcast_in_dim3A_51 : vector<256x1xf32> to vector<256x8192xf32>
    %eq3A_53 = arith.cmpf oeq, %select_n3A_48, %eq3A_52 : vector<256x8192xf32>
    %jit3A_54 = arith.constant 8192 : i32
    %broadcast_in_dim3A_55 = vector.broadcast %jit3A_54 : i32 to vector<256x8192xi32>
    %select_n3A_56 = arith.select %eq3A_53, %iota3A, %broadcast_in_dim3A_55 : vector<256x8192xi1>, vector<256x8192xi32>
    %reduce_min3A_57 = arith.constant dense<2147483647> : vector<256xi32>
    %reduce_min3A_58 = vector.multi_reduction <minsi>, %select_n3A_56, %reduce_min3A_57 [1] : vector<256x8192xi32> to vector<256xi32>
    %broadcast_in_dim3A_59 = vector.shape_cast %reduce_min3A_58 : vector<256xi32> to vector<256x1xi32>
    %eq3A_60 = vector.broadcast %broadcast_in_dim3A_59 : vector<256x1xi32> to vector<256x8192xi32>
    %eq3A_61 = arith.cmpi eq, %iota3A, %eq3A_60 : vector<256x8192xi32>
    %jit3A_62 = arith.constant 0xFF800000 : f32
    %broadcast_in_dim3A_63 = vector.broadcast %jit3A_62 : f32 to vector<256x8192xf32>
    %select_n3A_64 = arith.select %eq3A_61, %broadcast_in_dim3A_63, %select_n3A_48 : vector<256x8192xi1>, vector<256x8192xf32>
    %reduce_max3A_65 = arith.constant dense<0xFF800000> : vector<256xf32>
    %reduce_max3A_66 = vector.multi_reduction <maximumf>, %select_n3A_64, %reduce_max3A_65 [1] : vector<256x8192xf32> to vector<256xf32>
    %broadcast_in_dim3A_67 = vector.shape_cast %reduce_max3A_66 : vector<256xf32> to vector<256x1xf32>
    %eq3A_68 = vector.broadcast %broadcast_in_dim3A_67 : vector<256x1xf32> to vector<256x8192xf32>
    %eq3A_69 = arith.cmpf oeq, %select_n3A_64, %eq3A_68 : vector<256x8192xf32>
    %jit3A_70 = arith.constant 8192 : i32
    %broadcast_in_dim3A_71 = vector.broadcast %jit3A_70 : i32 to vector<256x8192xi32>
    %select_n3A_72 = arith.select %eq3A_69, %iota3A, %broadcast_in_dim3A_71 : vector<256x8192xi1>, vector<256x8192xi32>
    %reduce_min3A_73 = arith.constant dense<2147483647> : vector<256xi32>
    %reduce_min3A_74 = vector.multi_reduction <minsi>, %select_n3A_72, %reduce_min3A_73 [1] : vector<256x8192xi32> to vector<256xi32>
    %broadcast_in_dim3A_75 = vector.shape_cast %reduce_min3A_74 : vector<256xi32> to vector<256x1xi32>
    %eq3A_76 = vector.broadcast %broadcast_in_dim3A_75 : vector<256x1xi32> to vector<256x8192xi32>
    %eq3A_77 = arith.cmpi eq, %iota3A, %eq3A_76 : vector<256x8192xi32>
    %jit3A_78 = arith.constant 0xFF800000 : f32
    %broadcast_in_dim3A_79 = vector.broadcast %jit3A_78 : f32 to vector<256x8192xf32>
    %select_n3A_80 = arith.select %eq3A_77, %broadcast_in_dim3A_79, %select_n3A_64 : vector<256x8192xi1>, vector<256x8192xf32>
    %reduce_max3A_81 = arith.constant dense<0xFF800000> : vector<256xf32>
    %reduce_max3A_82 = vector.multi_reduction <maximumf>, %select_n3A_80, %reduce_max3A_81 [1] : vector<256x8192xf32> to vector<256xf32>
    %broadcast_in_dim3A_83 = vector.shape_cast %reduce_max3A_82 : vector<256xf32> to vector<256x1xf32>
    %eq3A_84 = vector.broadcast %broadcast_in_dim3A_83 : vector<256x1xf32> to vector<256x8192xf32>
    %eq3A_85 = arith.cmpf oeq, %select_n3A_80, %eq3A_84 : vector<256x8192xf32>
    %jit3A_86 = arith.constant 8192 : i32
    %broadcast_in_dim3A_87 = vector.broadcast %jit3A_86 : i32 to vector<256x8192xi32>
    %select_n3A_88 = arith.select %eq3A_85, %iota3A, %broadcast_in_dim3A_87 : vector<256x8192xi1>, vector<256x8192xi32>
    %reduce_min3A_89 = arith.constant dense<2147483647> : vector<256xi32>
    %reduce_min3A_90 = vector.multi_reduction <minsi>, %select_n3A_88, %reduce_min3A_89 [1] : vector<256x8192xi32> to vector<256xi32>
    %broadcast_in_dim3A_91 = vector.shape_cast %reduce_min3A_90 : vector<256xi32> to vector<256x1xi32>
    %concatenate3A = tpu.concatenate %broadcast_in_dim3A_27, %broadcast_in_dim3A_43, %broadcast_in_dim3A_59, %broadcast_in_dim3A_75, %broadcast_in_dim3A_91 in 1 : vector<256x1xi32>, vector<256x1xi32>, vector<256x1xi32>, vector<256x1xi32>, vector<256x1xi32> -> vector<256x5xi32>
    %broadcast_in_dim3A_92 = arith.constant 0 : i32
    %broadcast_in_dim3A_93 = vector.broadcast %broadcast_in_dim3A_92 : i32 to vector<256x3xi32>
    %concatenate3A_94 = tpu.concatenate %concatenate3A, %broadcast_in_dim3A_93 in 1 : vector<256x5xi32>, vector<256x3xi32> -> vector<256x8xi32>
    %swap3A = arith.constant 0 : index
    %swap3A_95 = arith.constant 0 : index
    %swap3A_96 = vector.load %arg8[%swap3A, %swap3A_95] : memref<256x8xi32, #tpu.memory_space<vmem>>, vector<256x8xi32>
    tpu.vector_store %arg8[%swap3A, %swap3A_95], %concatenate3A_94 {strides = array<i32>} : memref<256x8xi32, #tpu.memory_space<vmem>>, vector<256x8xi32>,
    %get3A_97 = arith.constant 0 : index
    %get3A_98 = arith.constant 0 : index
    %get3A_99 = vector.load %arg3[%get3A_97, %get3A_98] : memref<1x384xbf16, #tpu.memory_space<vmem>>, vector<1x384xbf16>
    %broadcast_in_dim3A_100 = vector.shape_cast %get3A_99 : vector<1x384xbf16> to vector<1x384xbf16>
    %broadcast_in_dim3A_101 = vector.broadcast %broadcast_in_dim3A_100 : vector<1x384xbf16> to vector<256x384xbf16>
    %get3A_102 = arith.constant 0 : index
    %get3A_103 = arith.constant 0 : index
    %get3A_104 = vector.load %arg2[%get3A_102, %get3A_103] : memref<256x384xbf16, #tpu.memory_space<vmem>>, vector<256x384xbf16>
    %concatenate3A_105 = tpu.concatenate %get3A_104, %broadcast_in_dim3A_101 in 1 : vector<256x384xbf16>, vector<256x384xbf16> -> vector<256x768xbf16>
    %get3A_106 = arith.constant 0 : index
    %get3A_107 = arith.constant 0 : index
    %get3A_108 = vector.load %arg4[%get3A_106, %get3A_107] : memref<128x768xbf16, #tpu.memory_space<vmem>>, vector<128x768xbf16>
    %dot_general3A_109 = arith.constant dense<0.000000e+00> : vector<256x128xf32>
    %dot_general3A_110 = tpu.matmul %concatenate3A_105, %get3A_108, %dot_general3A_109 {dimension_numbers = #tpu.dot_dimension_numbers<[1], [1], [0], [0], [0, 0, 1, 0], [], []>, transpose_lhs_hint = false} : vector<256x768xbf16>, vector<128x768xbf16>, vector<256x128xf32> -> vector<256x128xf32>
    %get3A_111 = arith.constant 0 : index
    %get3A_112 = arith.constant 0 : index
    %get3A_113 = vector.load %arg5[%get3A_111, %get3A_112] : memref<1x128xf32, #tpu.memory_space<vmem>>, vector<1x128xf32>
    %add3A = vector.broadcast %get3A_113 : vector<1x128xf32> to vector<256x128xf32>
    %add3A_114 = arith.addf %dot_general3A_110, %add3A : vector<256x128xf32>
    %max3A = arith.constant 0.000000e+00 : f32
    %max3A_115 = vector.broadcast %max3A : f32 to vector<256x128xf32>
    %max3A_116 = arith.maximumf %add3A_114, %max3A_115 : vector<256x128xf32>
    %convert_element_type3A = arith.truncf %max3A_116 : vector<256x128xf32> to vector<256x128xbf16>
    %get3A_117 = arith.constant 0 : index
    %get3A_118 = arith.constant 0 : index
    %get3A_119 = vector.load %arg6[%get3A_117, %get3A_118] : memref<8x128xbf16, #tpu.memory_space<vmem>>, vector<8x128xbf16>
    %dot_general3A_120 = arith.constant dense<0.000000e+00> : vector<256x8xf32>
    %dot_general3A_121 = tpu.matmul %convert_element_type3A, %get3A_119, %dot_general3A_120 {dimension_numbers = #tpu.dot_dimension_numbers<[1], [1], [0], [0], [0, 0, 1, 0], [], []>, transpose_lhs_hint = false} : vector<256x128xbf16>, vector<8x128xbf16>, vector<256x8xf32> -> vector<256x8xf32>
    %get3A_122 = arith.constant 0 : index
    %get3A_123 = arith.constant 0 : index
    %get3A_124 = vector.load %arg7[%get3A_122, %get3A_123] : memref<1x8xf32, #tpu.memory_space<vmem>>, vector<1x8xf32>
    %add3A_125 = vector.broadcast %get3A_124 : vector<1x8xf32> to vector<256x8xf32>
    %add3A_126 = arith.addf %dot_general3A_121, %add3A_125 : vector<256x8xf32>
    %swap3A_127 = arith.constant 0 : index
    %swap3A_128 = arith.constant 0 : index
    %swap3A_129 = vector.load %arg9[%swap3A_127, %swap3A_128] : memref<256x8xf32, #tpu.memory_space<vmem>>, vector<256x8xf32>
    tpu.vector_store %arg9[%swap3A_127, %swap3A_128], %add3A_126 {strides = array<i32>} : memref<256x8xf32, #tpu.memory_space<vmem>>, vector<256x8xf32>,
    return
  }
  func.func @transform_0(%arg0: i32) -> (i32, i32) {
    %c0_i32 = arith.constant 0 : i32
    %c0_i32_0 = arith.constant 0 : i32
    %c0_i32_1 = arith.constant 0 : i32
    return %c0_i32, %c0_i32_0 : i32, i32
  }
  func.func @transform_1(%arg0: i32) -> (i32, i32) {
    %c0_i32 = arith.constant 0 : i32
    %c0_i32_0 = arith.constant 0 : i32
    return %arg0, %c0_i32 : i32, i32
  }
  func.func @transform_2(%arg0: i32) -> (i32, i32) {
    %c0_i32 = arith.constant 0 : i32
    %c0_i32_0 = arith.constant 0 : i32
    %c0_i32_1 = arith.constant 0 : i32
    return %c0_i32, %c0_i32_0 : i32, i32
  }
  func.func @transform_3(%arg0: i32) -> (i32, i32) {
    %c0_i32 = arith.constant 0 : i32
    %c0_i32_0 = arith.constant 0 : i32
    %c0_i32_1 = arith.constant 0 : i32
    return %c0_i32, %c0_i32_0 : i32, i32
  }
  func.func @transform_4(%arg0: i32) -> (i32, i32) {
    %c0_i32 = arith.constant 0 : i32
    %c0_i32_0 = arith.constant 0 : i32
    %c0_i32_1 = arith.constant 0 : i32
    return %c0_i32, %c0_i32_0 : i32, i32
  }
  func.func @transform_5(%arg0: i32) -> (i32, i32) {
    %c0_i32 = arith.constant 0 : i32
    %c0_i32_0 = arith.constant 0 : i32
    %c0_i32_1 = arith.constant 0 : i32
    return %c0_i32, %c0_i32_0 : i32, i32
  }
  func.func @transform_6(%arg0: i32) -> (i32, i32) {
    %c0_i32 = arith.constant 0 : i32
    %c0_i32_0 = arith.constant 0 : i32
    %c0_i32_1 = arith.constant 0 : i32
    return %c0_i32, %c0_i32_0 : i32, i32
  }
  func.func @transform_7(%arg0: i32) -> (i32, i32) {
    %c0_i32 = arith.constant 0 : i32
    %c0_i32_0 = arith.constant 0 : i32
    return %arg0, %c0_i32 : i32, i32
  }
  func.func @transform_8(%arg0: i32) -> (i32, i32) {
    %c0_i32 = arith.constant 0 : i32
    %c0_i32_0 = arith.constant 0 : i32
    return %arg0, %c0_i32 : i32, i32
  }
}

</mosaic_0001>

<sc_bundles>
// kernel: scatter_offload_async_start.1
scs
__scs_entry_jumppad:
0x0: {  	(pc) =	sbr.rel $0x88, $3  }
0x1: {  	(tag) =	ssettag $0x0;
	lr =	simm.s32 $0x1  }
0x2: {  	[smem:$0x3F9B] =	sst lr;
	_ =	strace $0xD0000000  }
0x3: {  	_ = 	snop  }
0x4: {  	_ = 	snop  }
0x5: {  	_ = 	snop  }
0x6: {  	_ = 	snop  }
0x7: {  	_ = 	snop  }
__scs_overlays_trampoline_lowered:
0x8: {  	[smem:$0x3FAA] =	sst s0  }
0x9: {  	[smem:$0x3FAB] =	sst s1  }
0xa: {  	[smem:$0x3FAC] =	sst s2  }
0xb: {  	[smem:$0x3FAD] =	sst s3  }
0xc: {  	[smem:$0x3FAE] =	sst s4  }
0xd: {  	[smem:$0x3FAF] =	sst s5  }
0xe: {  	[smem:$0x3FB0] =	sst s6  }
0xf: {  	[smem:$0x3FB1] =	sst s7  }
0x10: {  	[smem:$0x3FB2] =	sst s8  }
0x11: {  	[smem:$0x3FB3] =	sst s9;
	s0 =	simm.s32 @!p0 $0x0  }
0x12: {  	s1 =	sld [smem:$0x3F99];
	s0 =	simm.s32 @p0 $0x1  }
0x13: {  	[smem:$0x3FB4] =	sst s0;
	s0 =	simm.s32 @!p1 $0x0  }
0x14: {  	s2 =	sld [smem:$0x3F98];
	s0 =	simm.s32 @p1 $0x1  }
0x15: {  	[smem:$0x3FB5] =	sst s0;
	s0 =	simm.s32 @!p2 $0x0  }
0x16: {  	s3 =	sld [smem:$0x3FDB];
	s0 =	simm.s32 @p2 $0x1  }
0x17: {  	s4 =	simm.s32 $0x1BF5;
	[smem:$0x3FB7] =	sst s0  }
0x18: {  	s0 =	sld [smem:$0x3F9A];
	_ =	swait.ge [sflag:s4], $0x0  }
0x19: {  	s7 =	sld [smem:$0x3F9B]  }
0x1a: {  	s8 =	sadd.s32 $0xFFFFE003, lr  }
0x1b: {  	s9 =	sadd.s32 $0xFFFFFEF7, lr;
	s5 =	simm.s32 $0xFFFFFFFF;
	p2 =	slt.u32 s8, $0xFFFFF086  }
0x1c: {  	p1 =	slt.u32 s9, $0xF7A;
	s5 =	simm.s32 @!p2 $0x0  }
0x1d: {  	s5 =	simm.s32 @p1 $0x1;
	p0 =	seq.s32 s7, s2  }
0x1e: {  	s7 =	smul.u32 @!p0 $0xF7A, s2;
	p2 =	seq.s32 @!p0 s5, $0x0  }
0x1f: {  	s9 =	smul.u32 $0xF7A, s1;
	s8 =	simm.s32 @!p0 $0x1BF5;
	p2 =	por !p2, p0  }
0x20: {  	[sflag:s8] =	ssyncset.s32 @!p0 $0xFFFFF086;
	s6 =	sadd.s32 @!p0 s3, s7;
	s7 =	simm.s32 @!p0 $0x108  }
0x21: {  	s3 =	sadd.s32 s3, s9;
	s6 =	sadd.s32 @!p0 $0x88, s6;
	s7 =	simm.s32 @p2 $0x1082  }
0x22: {  	[simem:s7], [sflag:s8] =	dma.local @!p0 [hbm:s6], $0xF7A  }
0x23: {  	s9 =	sor.u32 $0xD0000000, s2;
	s6 =	simm.s32 $0x108;
	_ =	swait.ge @!p0 [sflag:s8], $0x0  }
0x24: {  	s3 =	sadd.s32 $0x88, s3;
	s6 =	simm.s32 @!p1 $0x1082;
	[sflag:s4] =	ssyncset.s32 $0xFFFFF086  }
0x25: {  	[simem:s6], [sflag:s4] =	dma.local [hbm:s3], $0xF7A  }
0x26: {  	[smem:$0x3F9B] =	sst s1;
	(tag) =	ssettag s2;
	_ =	strace s9  }
0x27: {  	s1 =	sld [smem:$0x3FAB]  }
0x28: {  	s2 =	sld [smem:$0x3FAC]  }
0x29: {  	s4 =	sld [smem:$0x3FAE]  }
0x2a: {  	p0 =	seq.s32 s5, $0x0;
	s5 =	sld [smem:$0x3FAF]  }
0x2b: {  	s6 =	sld [smem:$0x3FB0]  }
0x2c: {  	s7 =	sld [smem:$0x3FB1]  }
0x2d: {  	s3 =	simm.s32 $0x108;
	s8 =	sld [smem:$0x3FB2]  }
0x2e: {  	s3 =	simm.s32 @!p0 $0x1082;
	s9 =	sld [smem:$0x3FB3]  }
0x2f: {  	lr =	sadd.s32 s0, s3;
	s0 =	sld [smem:$0x3FAA]  }
0x30: {  	s3 =	sld [smem:$0x3FAD]  }
0x31: {  	[smem:$0x3FB6] =	sst s10  }
0x32: {  	s10 =	sld [smem:$0x3FB4];
	_ =	sdelay $0x3  }
0x33: {  	p0 =	seq.s32 s10, $0x1;
	s10 =	sld [smem:$0x3FB6];
	_ =	sdelay $0x3  }
0x34: {  	[smem:$0x3FB6] =	sst s10  }
0x35: {  	s10 =	sld [smem:$0x3FB5];
	_ =	sdelay $0x3  }
0x36: {  	p1 =	seq.s32 s10, $0x1;
	s10 =	sld [smem:$0x3FB6];
	_ =	sdelay $0x3  }
0x37: {  	[smem:$0x3FB6] =	sst s10  }
0x38: {  	s10 =	sld [smem:$0x3FB7]  }
0x39: {  	_ = 	snop;
	(pc) =	sbr.ind lr, $3  }
0x3a: {  	_ = 	snop  }
0x3b: {  	_ = 	snop  }
0x3c: {  	p2 =	seq.s32 s10, $0x1;
	s10 =	sld [smem:$0x3FB6]  }
0x3d: {  	_ =	shalt  }
0x3e: {  	_ =	shalt  }
0x3f: {  	_ =	shalt  }
0x40: {  	_ =	shalt  }
0x41: {  	_ =	shalt  }
0x42: {  	_ =	shalt  }
0x43: {  	_ =	shalt  }
0x44: {  	_ =	shalt  }
0x45: {  	_ =	shalt  }
0x46: {  	_ =	shalt  }
0x47: {  	_ =	shalt  }
0x48: {  	_ =	shalt  }
0x49: {  	_ =	shalt  }
0x4a: {  	_ =	shalt  }
0x4b: {  	_ =	shalt  }
0x4c: {  	_ =	shalt  }
0x4d: {  	_ =	shalt  }
0x4e: {  	_ =	shalt  }
0x4f: {  	_ =	shalt  }
0x50: {  	_ =	shalt  }
0x51: {  	_ =	shalt  }
0x52: {  	_ =	shalt  }
0x53: {  	_ =	shalt  }
0x54: {  	_ =	shalt  }
0x55: {  	_ =	shalt  }
0x56: {  	_ =	shalt  }
0x57: {  	_ =	shalt  }
0x58: {  	_ =	shalt  }
0x59: {  	_ =	shalt  }
0x5a: {  	_ =	shalt  }
0x5b: {  	_ =	shalt  }
0x5c: {  	_ =	shalt  }
0x5d: {  	_ =	shalt  }
0x5e: {  	_ =	shalt  }
0x5f: {  	_ =	shalt  }
0x60: {  	_ =	shalt  }
0x61: {  	_ =	shalt  }
0x62: {  	_ =	shalt  }
0x63: {  	_ =	shalt  }
0x64: {  	_ =	shalt  }
0x65: {  	_ =	shalt  }
0x66: {  	_ =	shalt  }
0x67: {  	_ =	shalt  }
0x68: {  	_ =	shalt  }
0x69: {  	_ =	shalt  }
0x6a: {  	_ =	shalt  }
0x6b: {  	_ =	shalt  }
0x6c: {  	_ =	shalt  }
0x6d: {  	_ =	shalt  }
0x6e: {  	_ =	shalt  }
0x6f: {  	_ =	shalt  }
0x70: {  	_ =	shalt  }
0x71: {  	_ =	shalt  }
0x72: {  	_ =	shalt  }
0x73: {  	_ =	shalt  }
0x74: {  	_ =	shalt  }
0x75: {  	_ =	shalt  }
0x76: {  	_ =	shalt  }
0x77: {  	_ =	shalt  }
0x78: {  	_ =	shalt  }
0x79: {  	_ =	shalt  }
0x7a: {  	_ =	shalt  }
0x7b: {  	_ =	shalt  }
0x7c: {  	_ =	shalt  }
0x7d: {  	_ =	shalt  }
0x7e: {  	_ =	shalt  }
0x7f: {  	_ =	shalt  }
0x80: {  	_ =	shalt  }
0x81: {  	_ =	shalt  }
0x82: {  	_ =	shalt  }
0x83: {  	_ =	shalt  }
0x84: {  	_ =	shalt  }
0x85: {  	_ =	shalt  }
0x86: {  	_ =	shalt  }
0x87: {  	_ =	shalt  }
.Lfunc_end0:
.L_simem_size_0:
called_computation.1_lowered:
.L_overlay_start_0:
0x88: {  	s0 =	sld [smem:$0x3FD9]  }
0x89: {  	s1 =	sld [smem:$0x3FFE];
	_ =	sdelay $0x3  }
0x8a: {  	s0 =	sadd.s32 s1, s0  }
0x8b: {  	[smem:$0x3FC2] =	sst s0  }
0x8c: {  	_ = 	snop  }
0x8d: {  	(tm) =	ssettm $0x1  }
0x8e: {  	s14 =	sld [smem:$0x3FFB];
	_ =	sdelay $0x3  }
0x8f: {  	_ =	strace s14  }
0x90: {  	s0 =	sld [smem:$0x3FFC];
	_ =	sdelay $0x3  }
0x91: {  	_ =	strace s0  }
0x92: {  	s0 =	sld [smem:$0x3FFD];
	_ =	sdelay $0x3  }
0x93: {  	_ =	strace s0  }
0x94: {  	_ =	strace $0x8FFFFFFF  }
0x95: {  	s15 =	sld [smem:$0x3FDB];
	_ =	sdelay $0x1  }
0x96: {  	s16 =	simm.s32 $_scs_section_size  }
0x97: {  	s2 =	simm.s32 $_size__tile_overlayer_lowered;
	s3 =	simm.s32 $_tile_overlayer_lowered  }
0x98: {  	s4 =	simm.s32 $0x1BFF;
	s17 =	sshll.u32 s3, $0x1;
	s1 =	sadd.s32 s16, s15  }
0x99: {  	s18 =	simm.s32 $0x0;
	s2 =	sshll.u32 s2, $0x1;
	s3 =	sadd.s32 s17, s1  }
0x9a: {  	[timem:s18], [sflag:s4] =	dma.local [hbm:s3], s2  }
0x9b: {  	_ =	swait.ge [sflag:s4], s2  }
0x9c: {  	s2 =	ssub.s32 $0x0, s2;
	[sflag:s4] =	ssyncset.done $0x0  }
0x9d: {  	[sflag:s4] =	ssyncadd.s32 s2;
	_ =	sdelay $0x1  }
0x9e: {  	s19 =	simm.s32 $0x1B8B  }
0x9f: {  	_ =	swait.ge [sflag:s19], $0x1  }
0xa0: {  	[sflag:s19] =	ssyncset.done $0x0  }
0xa1: {  	s21 =	simm.s32 $0x1B8E;
	s20 =	sld [smem:$0x3FFE];
	[sflag:s19] =	ssyncadd.s32 $0xFFFFFFFF  }
0xa2: {  	s22 =	simm.s32 $execute0_lowered;
	[smem:$0x3FD2] =	sst s21  }
0xa3: {  	s3 =	sshll.u32 s22, $0x1;
	_ =	strace $0x8000004C;
	[dreg:$0x1] =	wrdreg $0xFFFFFFFF  }
0xa4: {  	s23 =	simm.s32 $_size_execute0_lowered;
	s3 =	sadd.s32 s1, s3;
	[dreg:$0x0] =	wrdreg $0x0  }
0xa5: {  	s4 =	sshll.u32 s23, $0x1;
	[dreg:$0x2] =	wrdreg s3  }
0xa6: {  	[dreg:$0x3] =	wrdreg s4  }
0xa7: {  	[dreg:$0x4] =	wrdreg $0xC0  }
0xa8: {  	s24 =	simm.s32 $execute1_lowered;
	_ =	task [dreg:s18], $0x5FFFF  }
0xa9: {  	s3 =	sshll.u32 s24, $0x1;
	[dreg:$0x1] =	wrdreg $0xFFFFFFFF  }
0xaa: {  	s1 =	sadd.s32 s1, s3;
	[dreg:$0x0] =	wrdreg $0x60  }
0xab: {  	[dreg:$0x2] =	wrdreg s1  }
0xac: {  	[dreg:$0x3] =	wrdreg s20  }
0xad: {  	[dreg:$0x4] =	wrdreg $0x9  }
0xae: {  	_ =	task.clear_ibuf [dreg:s18], $0x5FFFF;
	_ =	strace $0x9000004C  }
0xaf: {  	s25 =	simm.s32 $0x9;
	_ =	strace $0x8000004E  }
0xb0: {  	_ =	swait.ge [sflag:s25], $0x1  }
0xb1: {  	[sflag:s25] =	ssyncadd.s32 $0xFFFFFFFF  }
0xb2: {  	_ =	strace $0x9000004E  }
0xb3: {  	_ =	strace $0x8000004F;
	[dreg:$0x1] =	wrdreg $0xFFFFFFFF  }
0xb4: {  	[dreg:$0x0] =	wrdreg $0x2030  }
0xb5: {  	[dreg:$0x2] =	wrdreg s20  }
0xb6: {  	[dreg:$0x3] =	wrdreg $0xA  }
0xb7: {  	_ =	task.clear_ibuf [dreg:s18], $0x4FFFF;
	_ =	strace $0x9000004F  }
0xb8: {  	s26 =	simm.s32 $0xA;
	_ =	strace $0x80000051  }
0xb9: {  	_ =	swait.ge [sflag:s26], $0x1  }
0xba: {  	[sflag:s26] =	ssyncadd.s32 $0xFFFFFFFF  }
0xbb: {  	_ =	strace $0x90000051  }
0xbc: {  	_ =	sfence  }
0xbd: {  	s28 =	sld [smem:$0x0];
	_ =	sdelay $0x1  }
0xbe: {  	s29 =	srdreg.scid  }
0xbf: {  	s30 =	sshll.u32 s29, $0xD;
	s31 =	sshrl.u32 s29, $0x2  }
0xc0: {  	s2 =	sand.u32 $0x1, s29;
	s3 =	sand.u32 $0x4000, s30;
	s1 =	sadd.s32 s31, s28  }
0xc1: {  	s2 =	sor.u32 s3, s2;
	s1 =	sshll.u32 s1, $0x11  }
0xc2: {  	s1 =	sor.u32 s1, s2  }
0xc3: {  	s1 =	sadd.s32 $0x8F2B, s1  }
0xc4: {  	[sflag:s1] =	ssyncadd.remote.s32 $0x1  }
0xc5: {  	_ =	sfence.sel $0xFFFF  }
0xc6: {  	[dreg:$0x0] =	wrdreg $0xFFFFFFFF;
	(pc) =	sbr.abs _section_cstart, $3  }
0xc7: {  	[dreg:$0x1] =	wrdreg $0xFFFFFFFF  }
0xc8: {  	_ =	task.clear_ibuf [dreg:s18], $0x2FFFF;
	_ =	strace $0x9FFFFFFF  }
0xc9: {  	(tm) =	ssettm $0x7FFFFFFF  }
tec
execute0_lowered:
.L_overlay_start_1:
0x0: {  	(tag) =	ssettag $0x1  }
0x1: {  	s2 =	rddreg [dreg:$0x0]  }
0x2: {  	s4 =	rddreg [dreg:$0x1]  }
0x3: {  	s0 =	rddreg [dreg:$0x2];
	s5 =	stileid.u32;
	[bflag:$0x3] =	sbarrier.arrive $0xFFFF  }
0x4: {  	s1 =	simm.s32 $_size_execute1_lowered;
	s9 =	simm.s32 $0x1;
	s31 =	simm.s32 $0x2  }
0x5: {  	s10 =	simm.s32 $0x0;
	p0 =	sne.s32 s5, $0x0;
	s1 =	sshll.u32 s1, $0x1  }
0x6: {  	p1 =	seq.s32 s5, $0x0;
	s3 =	simm.s32 @!p0 $0x1C3F;
	s6 =	simm.s32 @!p0 $0x4060  }
0x7: {  	[timem:s6], [sflag:s3] =	dma.local @!p0 [hbm:s2], s1  }
0x8: {  	s9 =	simm.s32 @!p1 $0x0;
	s2 =	smul.u32 $0xA00, s5;
	s6 =	simm.s32 @!p0 $0xA000  }
0x9: {  	s3 =	simm.s32 $0x0;
	s5 =	simm.s32 $0x1;
	s6 =	simm.s32 @p0 $0x0  }
.Ltmp0:
0xa: {  	_ =	strace $0x8000004D;
	s8 =	ssub.s32 $0xA000, s2;
	(pc) =	sbr.rel .LBB2_1-.Ltmp0, $4  }
0xb: {  	s30 =	sshrl.u32 s2, $0x3;
	p1 =	sne.s32 s8, s6;
	s6 =	simm.s32 $0x1  }
0xc: {  	[sflag:s5] =	ssyncpa.u1 $0x0;
	s7 =	sadd.s32 s30, s4;
	s6 =	simm.s32 @!p1 $0x0  }
0xd: {  	s4 =	sadd.s32 $0x7000, s4;
	[sflag:s31] =	ssyncpa.u1 $0x0;
	s6 =	sadd.s32 s9, s6  }
0xe: {  	s7 =	sadd.s32 $0x5C00, s7;
	s9 =	simm.s32 $0x0;
	s8 =	sadd.s32 $0x1, s6  }
.LBB2_4:
0xf: {  	[tilespmem:s11+$0xB0] =	vst v0  }
0x10: {  	[tilespmem:s11+$0xC0] =	vst v1  }
0x11: {  	[tilespmem:s11+$0xD0] =	vst v2  }
0x12: {  	[tilespmem:s11+$0xE0] =	vst v3;
	s10 =	sshrl.u32 s10, $0x3  }
0x13: {  	[tilespmem:s11+$0xFFFFFF00] =	vst v4;
	s10 =	sadd.s32 s4, s10  }
0x14: {  	[hbm4b:s10+s3] =	stream.linear.scatter [tilespmem:s12], [sflag:$0x2], $0xA00, $0x38;
	[tilespmem:$0x2800] =	vst v63  }
.LBB2_5:
0x15: {  	p2 =	sne.s32 s9, s8  }
.Ltmp1:
0x16: {  	p1 =	slt.u32 s9, $0x2;
	(pc) =	sbr.rel @!p2 .LBB2_6-.Ltmp1, $4  }
0x17: {  	s10 =	simm.s32 @!p1 $0x2  }
0x18: {  	_ =	swait.ge @!p1 [sflag:s10], $0xA00  }
0x19: {  	s11 =	sadd.s32 $0x1, s9;
	[sflag:s10] =	ssyncset.done @!p1 $0x0  }
0x1a: {  	s9 =	smov.u32 s11;
	[sflag:s10] =	ssyncadd.s32 @!p1 $0xFFFFF600;
	s10 =	smov.u32 s2  }
.LBB2_1:
0x1b: {  	p1 =	sge.u32 s9, s6  }
0x1c: {  	s11 =	sxor.u32 @!p1 $0x1, s9  }
0x1d: {  	s11 =	smul.u32 @!p1 $0x2800, s11;
	_ =	sdelay $0x1  }
0x1e: {  	s31 =	sadd.s32 $0xFFFFFFFF, s9;
	s12 =	simm.s32 @!p1 $0x0;
	s11 =	sshra.s32 @!p1 s11, $0x2  }
0x1f: {  	[tilespmem:s11], [sflag:$0x1] =	stream.linear.gather @!p1 [hbm4b:s7+s12], $0xA00, $0x38;
	[tilespmem:$0x2800] =	vst v63  }
0x20: {  	p1 =	sge.u32 s31, s6  }
.Ltmp2:
0x21: {  	_ = 	snop;
	(pc) =	sbr.rel @p1 .LBB2_5-.Ltmp2, $1  }
0x22: {  	_ =	sdelay $0x3  }
0x23: {  	s11 =	sand.u32 $0x1, s9  }
0x24: {  	_ =	swait.ge [sflag:s5], $0xA00;
	s12 =	simm.s32 $0xA00;
	p1 =	seq.s32 s11, $0x1  }
0x25: {  	[sflag:s5] =	ssyncset.done $0x0;
	s12 =	simm.s32 @!p1 $0x0  }
0x26: {  	[sflag:s5] =	ssyncadd.s32 $0xFFFFF600;
	s14 =	sor.u32 $0x100, s12  }
0x27: {  	v0 =	vld [tilespmem:s14+$0xF0]  }
0x28: {  	v1 =	vld [tilespmem:s14+$0xFFFFFF10]  }
0x29: {  	v2 =	vld [tilespmem:s14+$0xFFFFFF20]  }
0x2a: {  	v3 =	vld [tilespmem:s14+$0xFFFFFF30]  }
0x2b: {  	s11 =	sor.u32 $0x1500, s12;
	v4 =	vld [tilespmem:s14+$0xFFFFFF40]  }
0x2c: {  	v5 =	vld [tilespmem:s14+$0xFFFFFF50];
	[tilespmem:s11+$0xF0] =	vst v0  }
0x2d: {  	[tilespmem:s11+$0xFFFFFF10] =	vst v1;
	v0 =	vld [tilespmem:s14+$0xFFFFFF60]  }
0x2e: {  	[tilespmem:s11+$0xFFFFFF20] =	vst v2;
	v1 =	vld [tilespmem:s14+$0xFFFFFF70]  }
0x2f: {  	[tilespmem:s11+$0xFFFFFF30] =	vst v3;
	v2 =	vld [tilespmem:s14+$0xFFFFFF80]  }
0x30: {  	[tilespmem:s11+$0xFFFFFF40] =	vst v4;
	v3 =	vld [tilespmem:s14+$0xFFFFFF90]  }
0x31: {  	[tilespmem:s11+$0xFFFFFF50] =	vst v5;
	v4 =	vld [tilespmem:s14+$0xFFFFFFA0]  }
0x32: {  	v5 =	vld [tilespmem:s14+$0xA0];
	[tilespmem:s11+$0xFFFFFF60] =	vst v0  }
0x33: {  	v0 =	vld [tilespmem:s14+$0xFFFFFFB0];
	[tilespmem:s11+$0xFFFFFF70] =	vst v1  }
0x34: {  	v1 =	vld [tilespmem:s14+$0xFFFFFFC0];
	[tilespmem:s11+$0xFFFFFF80] =	vst v2  }
0x35: {  	v2 =	vld [tilespmem:s14+$0xFFFFFFD0];
	[tilespmem:s11+$0xFFFFFF90] =	vst v3  }
0x36: {  	v3 =	vld [tilespmem:s14+$0xFFFFFFE0];
	[tilespmem:s11+$0xFFFFFFA0] =	vst v4  }
0x37: {  	v4 =	vld [tilespmem:s14+$0xFFFFFFF0];
	[tilespmem:s11+$0xA0] =	vst v5  }
0x38: {  	[tilespmem:s11+$0xFFFFFFB0] =	vst v0;
	v0 =	vld [tilespmem:s14+$0x0]  }
0x39: {  	[tilespmem:s11+$0xFFFFFFC0] =	vst v1;
	v1 =	vld [tilespmem:s14+$0x10]  }
0x3a: {  	[tilespmem:s11+$0xFFFFFFD0] =	vst v2;
	v2 =	vld [tilespmem:s14+$0x20]  }
0x3b: {  	[tilespmem:s11+$0xFFFFFFE0] =	vst v3;
	v3 =	vld [tilespmem:s14+$0x30]  }
0x3c: {  	[tilespmem:s11+$0xFFFFFFF0] =	vst v4;
	v4 =	vld [tilespmem:s14+$0x40]  }
0x3d: {  	[tilespmem:s11+$0x0] =	vst v0;
	v0 =	vld [tilespmem:s14+$0x50]  }
0x3e: {  	[tilespmem:s11+$0x10] =	vst v1;
	v1 =	vld [tilespmem:s14+$0x60]  }
0x3f: {  	[tilespmem:s11+$0x20] =	vst v2;
	v2 =	vld [tilespmem:s14+$0x70]  }
0x40: {  	[tilespmem:s11+$0x30] =	vst v3;
	v3 =	vld [tilespmem:s14+$0x80]  }
0x41: {  	[tilespmem:s11+$0x40] =	vst v4;
	v4 =	vld [tilespmem:s14+$0x90]  }
0x42: {  	[tilespmem:s11+$0x50] =	vst v0;
	v0 =	vld [tilespmem:s14+$0xB0]  }
0x43: {  	[tilespmem:s11+$0x60] =	vst v1;
	v1 =	vld [tilespmem:s14+$0xC0]  }
0x44: {  	[tilespmem:s11+$0x70] =	vst v2;
	v2 =	vld [tilespmem:s14+$0xD0]  }
0x45: {  	[tilespmem:s11+$0x80] =	vst v3;
	v3 =	vld [tilespmem:s14+$0xE0]  }
0x46: {  	s13 =	simm.s32 $0x0;
	s12 =	sor.u32 $0x1400, s12;
	[tilespmem:s11+$0x90] =	vst v4;
	v4 =	vld [tilespmem:s14+$0xFFFFFF00];
	s14 =	sadd.s32 $0x200, s14  }
.LBB2_3:
0x47: {  	v5 =	vld [tilespmem:s14+$0xF0];
	s13 =	sadd.s32 $0x200, s13;
	[tilespmem:s11+$0xB0] =	vst v0  }
0x48: {  	v0 =	vld [tilespmem:s14+$0xFFFFFF10];
	p1 =	slt.u32 s13, $0x800;
	[tilespmem:s11+$0xC0] =	vst v1  }
0x49: {  	v1 =	vld [tilespmem:s14+$0xFFFFFF20];
	[tilespmem:s11+$0xD0] =	vst v2  }
0x4a: {  	v2 =	vld [tilespmem:s14+$0xFFFFFF30];
	[tilespmem:s11+$0xE0] =	vst v3  }
0x4b: {  	v3 =	vld [tilespmem:s14+$0xFFFFFF40];
	[tilespmem:s11+$0xFFFFFF00] =	vst v4;
	s11 =	sadd.s32 $0x200, s11  }
0x4c: {  	v4 =	vld [tilespmem:s14+$0xFFFFFF50];
	[tilespmem:s11+$0xF0] =	vst v5  }
0x4d: {  	[tilespmem:s11+$0xFFFFFF10] =	vst v0;
	v0 =	vld [tilespmem:s14+$0xFFFFFF60]  }
0x4e: {  	[tilespmem:s11+$0xFFFFFF20] =	vst v1;
	v1 =	vld [tilespmem:s14+$0xFFFFFF70]  }
0x4f: {  	[tilespmem:s11+$0xFFFFFF30] =	vst v2;
	v2 =	vld [tilespmem:s14+$0xFFFFFF80]  }
0x50: {  	[tilespmem:s11+$0xFFFFFF40] =	vst v3;
	v3 =	vld [tilespmem:s14+$0xFFFFFF90]  }
0x51: {  	[tilespmem:s11+$0xFFFFFF50] =	vst v4;
	v4 =	vld [tilespmem:s14+$0xFFFFFFA0]  }
0x52: {  	[tilespmem:s11+$0xFFFFFF60] =	vst v0;
	v0 =	vld [tilespmem:s14+$0xFFFFFFB0]  }
0x53: {  	[tilespmem:s11+$0xFFFFFF70] =	vst v1;
	v1 =	vld [tilespmem:s14+$0xFFFFFFC0]  }
0x54: {  	[tilespmem:s11+$0xFFFFFF80] =	vst v2;
	v2 =	vld [tilespmem:s14+$0xFFFFFFD0]  }
0x55: {  	[tilespmem:s11+$0xFFFFFF90] =	vst v3;
	v3 =	vld [tilespmem:s14+$0xFFFFFFE0]  }
0x56: {  	[tilespmem:s11+$0xFFFFFFA0] =	vst v4;
	v4 =	vld [tilespmem:s14+$0xFFFFFFF0]  }
0x57: {  	[tilespmem:s11+$0xFFFFFFB0] =	vst v0;
	v0 =	vld [tilespmem:s14+$0x0]  }
0x58: {  	[tilespmem:s11+$0xFFFFFFC0] =	vst v1;
	v1 =	vld [tilespmem:s14+$0x10]  }
0x59: {  	[tilespmem:s11+$0xFFFFFFD0] =	vst v2;
	v2 =	vld [tilespmem:s14+$0x20]  }
0x5a: {  	[tilespmem:s11+$0xFFFFFFE0] =	vst v3;
	v3 =	vld [tilespmem:s14+$0x30]  }
0x5b: {  	[tilespmem:s11+$0xFFFFFFF0] =	vst v4;
	v4 =	vld [tilespmem:s14+$0x40]  }
0x5c: {  	[tilespmem:s11+$0x0] =	vst v0;
	v0 =	vld [tilespmem:s14+$0x50]  }
0x5d: {  	[tilespmem:s11+$0x10] =	vst v1;
	v1 =	vld [tilespmem:s14+$0x60]  }
0x5e: {  	[tilespmem:s11+$0x20] =	vst v2;
	v2 =	vld [tilespmem:s14+$0x70]  }
0x5f: {  	[tilespmem:s11+$0x30] =	vst v3;
	v3 =	vld [tilespmem:s14+$0x80]  }
0x60: {  	[tilespmem:s11+$0x40] =	vst v4;
	v4 =	vld [tilespmem:s14+$0x90]  }
0x61: {  	[tilespmem:s11+$0x50] =	vst v0;
	v5 =	vld [tilespmem:s14+$0xA0]  }
.Ltmp3:
0x62: {  	[tilespmem:s11+$0x60] =	vst v1;
	v0 =	vld [tilespmem:s14+$0xB0];
	(pc) =	sbr.rel @p1 .LBB2_3-.Ltmp3, $4  }
0x63: {  	[tilespmem:s11+$0x70] =	vst v2;
	v1 =	vld [tilespmem:s14+$0xC0]  }
0x64: {  	[tilespmem:s11+$0x80] =	vst v3;
	v2 =	vld [tilespmem:s14+$0xD0]  }
0x65: {  	[tilespmem:s11+$0x90] =	vst v4;
	v3 =	vld [tilespmem:s14+$0xE0]  }
0x66: {  	v4 =	vld [tilespmem:s14+$0xFFFFFF00];
	[tilespmem:s11+$0xA0] =	vst v5;
	s14 =	sadd.s32 $0x200, s14  }
.Ltmp4:
0x67: {  	_ = 	snop;
	(pc) =	sbr.rel .LBB2_4-.Ltmp4, $1  }
0x68: {  	_ =	sdelay $0x3  }
.LBB2_6:
0x69: {  	_ =	sfence.sel $0x180000  }
0x6a: {  	s2 =	simm.s32 $0x1;
	[bflag:$0x0] =	sbarrier.arrive $0xFFFF  }
0x6b: {  	s31 =	simm.s32 $0x2;
	[sflag:s2] =	ssyncpa.u1 $0x1  }
0x6c: {  	[sflag:s31] =	ssyncpa.u1 $0x1  }
0x6d: {  	_ =	strace $0x9000004D  }
0x6e: {  	s0 =	sadd.s32 @!p0 $0x100000, s0;
	[bflag:$0x2] =	sbarrier.arrive $0xFFFF  }
0x6f: {  	[sflag:s0] =	ssyncadd.tile.s32 @!p0 $0x1;
	s0 =	simm.s32 @!p0 $0x3F  }
0x70: {  	_ =	swait.ge @!p0 [sflag:s0], s1  }
0x71: {  	s1 =	ssub.s32 @!p0 $0x0, s1;
	[sflag:s0] =	ssyncset.done @!p0 $0x0  }
0x72: {  	[sflag:s0] =	ssyncadd.s32 @!p0 s1  }
0x73: {  	[bflag:$0x3] =	sbarrier.arrive $0xFFFF  }
0x74: {  	_ =	shalt  }
.Lfunc_end2:
execute1_lowered:
.L_overlay_start_2:
0x75: {  	(tag) =	ssettag $0x2  }
0x76: {  	s0 =	rddreg [dreg:$0x0];
	_ =	strace $0x80000050;
	s3 =	simm.s32 $0x1  }
0x77: {  	v1 =	vimm.s32 $0xFFFFFFFF;
	[sflag:s3] =	ssyncpa.u1 $0x0  }
0x78: {  	[tilespmem:$0x10] =	vst v1  }
0x79: {  	v0 =	vimm.f32 $0.0e+00;
	[tilespmem:$0x20] =	vst v1  }
0x7a: {  	[tilespmem:$0x30] =	vst v0  }
0x7b: {  	s2 =	simm.s32 $0x2;
	s26 =	stileid.u32;
	s5 =	simm.s32 $0x7;
	[tilespmem:$0x40] =	vst v0  }
0x7c: {  	s7 =	simm.s32 $0x8;
	s31 =	simm.s32 $0x9;
	s14 =	simm.s32 $0x0;
	[tilespmem:$0x50] =	vst v0  }
0x7d: {  	s15 =	simm.s32 $0x100;
	s18 =	simm.s32 $0x10;
	s19 =	simm.s32 $0x5B00;
	[tilespmem:$0x60] =	vst v1  }
0x7e: {  	s20 =	simm.s32 $0xF;
	s21 =	simm.s32 $0x50;
	s22 =	simm.s32 $0x28FF;
	[tilespmem:$0x70] =	vst v1  }
0x7f: {  	s23 =	simm.s32 $0x20;
	s24 =	simm.s32 $0x30;
	s25 =	simm.s32 $0x50FF;
	[tilespmem:$0x80] =	vst v1  }
0x80: {  	s30 =	simm.s32 $0x0;
	s29 =	simm.s32 $0x0;
	s6 =	smul.u32 $0xA00, s26;
	v1 =	vimm.s32 $0x0;
	[tilespmem:$0xB0] =	vst v0  }
.Ltmp5:
0x81: {  	s1 =	sadd.s32 $0x7000, s0;
	s4 =	sadd.s32 $0x3400, s0;
	[tilespmem:$0x90] =	vst v1;
	(pc) =	sbr.rel .LBB3_1-.Ltmp5, $4  }
0x82: {  	s8 =	sadd.s32 $0x4800, s0;
	s10 =	sshll.u32 s26, $0x1;
	[tilespmem:$0xA0] =	vst v1;
	[sflag:s2] =	ssyncpa.u1 $0x0  }
0x83: {  	s12 =	sshllo.u32 s26, $0x1;
	s26 =	simm.s32 $0x80;
	[sflag:s5] =	ssyncpa.u1 $0x0  }
0x84: {  	vm0 =	vmmov $0xffff;
	v2 =	vlaneseq.u32;
	s11 =	sor.u32 $0x81, s10;
	s13 =	sor.u32 $0x80, s10;
	[sflag:s7] =	ssyncpa.u1 $0x0  }
0x85: {  	vm1 =	vmxor vm1, vm1;
	vm2 =	vmmov $0x1;
	vm3 =	vcmask $0x3F3C;
	s9 =	sadd.s32 $0xA00, s6;
	s28 =	smov.u32 s6;
	[sflag:s31] =	ssyncpa.u1 $0x0  }
.LBB3_3:
0x86: {  	s0 =	sshrl.u32 s28, $0x3  }
0x87: {  	s2 =	sand.u32 $0x7, s28;
	s0 =	sadd.s32 s4, s0  }
0x88: {  	[tilespmem:s15], [sflag:$0x7] =	stream.linear.gather [hbm4b:s0+s2], $0xA00, $0x38;
	[tilespmem:$0x5B20] =	vst v63  }
.LBB3_4:
0x89: {  	s0 =	sadd.s32 $0xA00, s28  }
0x8a: {  	s2 =	smov.u32 s6;
	s29 =	sadd.s32 $0x1, s29;
	p0 =	slt.s32 s0, s9  }
0x8b: {  	s2 =	smov.u32 @p0 s0;
	p0 =	sne.s32 s29, $0x4  }
.Ltmp6:
0x8c: {  	_ = 	snop;
	(pc) =	sbr.rel @!p0 .LBB3_13-.Ltmp6, $2  }
0x8d: {  	_ =	sdelay $0x2  }
0x8e: {  	s30 =	smov.u32 s28;
	s28 =	smov.u32 s2  }
.LBB3_1:
0x8f: {  	p0 =	sgt.s32 s29, $0x1  }
.Ltmp7:
0x90: {  	_ = 	snop;
	(pc) =	sbr.rel @p0 .LBB3_11-.Ltmp7, $1  }
0x91: {  	_ =	sdelay $0x3  }
0x92: {  	p0 =	seq.s32 s29, $0x0  }
.Ltmp8:
0x93: {  	_ = 	snop;
	(pc) =	sbr.rel @p0 .LBB3_3-.Ltmp8, $1  }
0x94: {  	_ =	sdelay $0x3  }
0x95: {  	_ =	swait.ge [sflag:s5], $0xA00  }
0x96: {  	[sflag:s5] =	ssyncset.done $0x0  }
0x97: {  	[sflag:s5] =	ssyncadd.s32 $0xFFFFF600;
	(ifvalue) =	ssetifvalue $0xFFFFFFFF;
	v3 =	vld.msk [tilespmem:s15+$0x0 ss:$0x1], $0xffff;
	_ =	sdelay $0x4  }
0x98: {  	v4 =	vperm.xlane v3, v1  }
0x99: {  	vm4 =	vlt.u32 v3, $0xA000  }
0x9a: {  	v3 =	vnsel vm4, $0xFFFFFFFE, v3;
	vm4 =	vlt.u32 v4, $0xA000  }
0x9b: {  	[tilespmem:$0x70] =	vst v3;
	v3 =	vnsel vm4, $0xFFFFFFFE, v4  }
0x9c: {  	s17 =	simm.s32 $0xAF0;
	[tilespmem:$0x80] =	vst v3  }
0x9d: {  	v3 =	vld.msk [tilespmem:s17+$0x0 ss:$0x1], $0xffff;
	_ =	sdelay $0x4  }
0x9e: {  	(xrf1) =	vunique.msk.u32 $0xffff, v3;
	_ =	sdelay $0xd  }
0x9f: {  	v4 =	vimm.s32 $0xFFFFFFFF;
	v5, _, _ =	vpop (xrf1)  }
0xa0: {  	vm5 =	vne.s32 v3, v4;
	vm4 =	veq.s32 v5, v2  }
0xa1: {  	vm6 =	vlt.u32 v3, $0xA000;
	vm4 =	vmand vm5, vm4  }
0xa2: {  	vm4 =	vmand vm6, vm4  }
0xa3: {  	v4 =	vnsel vm4, $0xFFFFFFFF, v3;
	_ =	sdelay $0x3  }
0xa4: {  	s0 =	simm.s32 $0x28F0;
	(ifvalue) =	ssetifvalue $0xFFFFFFFF  }
0xa5: {  	v3 =	vperm.xlane v3, v1;
	[tilespmem:s0], [sflag:$0x8] =	stream.indirect_vreg.gather [hbm4b:s1+s14], $0x1, v4, vm0, $0x4038;
	v4 =	vnsel vm6, $0xFFFFFFFE, v4;
	[tilespmem:$0x5B20] =	vst v63  }
0xa6: {  	s2 =	simm.s32 $0x0;
	s16 =	simm.s32 $0xAE0;
	[tilespmem:s17+$0x0] =	vst v4  }
.LBB3_6:
0xa7: {  	v4 =	vld.msk [tilespmem:s16+$0x0 ss:$0x1], $0xffff;
	s2 =	sadd.s32 $0x10, s2;
	v5 =	vmov v3;
	s17 =	smov.u32 s16  }
0xa8: {  	p0 =	slt.u32 s2, $0x9F0;
	_ =	sdelay $0x4  }
0xa9: {  	v3 =	vperm.xlane v4, v1;
	(xrf1) =	vunique.msk.u32 $0xffff, v4;
	_ =	sdelay $0xd  }
0xaa: {  	v6, _, _ =	vpop (xrf1)  }
0xab: {  	vm5 =	vne.s32 v4, v5;
	vm4 =	veq.s32 v6, v2  }
0xac: {  	vm6 =	vlt.u32 v4, $0xA000;
	vm4 =	vmand vm5, vm4  }
0xad: {  	vm4 =	vmand vm6, vm4  }
0xae: {  	v4 =	vnsel vm4, $0xFFFFFFFF, v4  }
.Ltmp9:
0xaf: {  	v5 =	vnsel vm6, $0xFFFFFFFE, v4;
	(pc) =	sbr.rel @p0 .LBB3_6-.Ltmp9, $3  }
0xb0: {  	_ =	sdelay $0x1  }
0xb1: {  	s16 =	sadd.s32 $0xFFFFFFF0, s16;
	s0 =	sadd.s32 $0xFFFFFFF0, s0;
	(ifvalue) =	ssetifvalue $0xFFFFFFFF  }
0xb2: {  	[tilespmem:s0], [sflag:$0x8] =	stream.indirect_vreg.gather [hbm4b:s1+s14], $0x1, v4, vm0, $0x4038;
	[tilespmem:s17+$0x0] =	vst v5  }
.Ltmp10:
0xb3: {  	(pc) =	sbr.rel .LBB3_4-.Ltmp10, $4  }
0xb4: {  	_ = 	snop  }
0xb5: {  	s0 =	sshrl.u32 s30, $0x3  }
0xb6: {  	s2 =	simm.s32 $0x3300;
	s0 =	sadd.s32 s8, s0  }
0xb7: {  	[tilespmem:s2], [sflag:$0x8] =	stream.linear.gather [hbm:s0], $0xA00, $0x38;
	[tilespmem:$0x5B20] =	vst v63  }
.LBB3_11:
0xb8: {  	p0 =	seq.s32 s29, $0x2  }
.Ltmp11:
0xb9: {  	_ = 	snop;
	(pc) =	sbr.rel @!p0 .LBB3_12-.Ltmp11, $1  }
0xba: {  	_ =	sdelay $0x3  }
0xbb: {  	_ =	swait.ge [sflag:s7], $0x1400  }
0xbc: {  	[sflag:s7] =	ssyncset.done $0x0  }
0xbd: {  	s0 =	simm.s32 $0xAFF;
	[sflag:s7] =	ssyncadd.s32 $0xFFFFEC00  }
0xbe: {  	[spmem:s11] =	stream.linear.scatter [tilespmem:s0], [sflag:$0x1], $0x1, $0x38;
	[tilespmem:$0x5B20] =	vst v63  }
0xbf: {  	_ =	swait.ge [sflag:s3], $0x1  }
0xc0: {  	[sflag:s3] =	ssyncset.done $0x0  }
0xc1: {  	[sflag:s3] =	ssyncadd.s32 $0xFFFFFFFF  }
0xc2: {  	v4 =	vld [tilespmem:$0x10]  }
0xc3: {  	v5 =	vld [tilespmem:$0x70]  }
0xc4: {  	v3 =	vld [tilespmem:$0x80];
	_ =	sdelay $0x2  }
0xc5: {  	(v2sf) =	vpush v4, $0x0  }
0xc6: {  	(v2sf) =	vpush v5, $0x0  }
0xc7: {  	(v2sf) =	vpush v3, $0x0;
	_ =	sdelay $0xc  }
0xc8: {  	s16 =	spop (v2sf)  }
0xc9: {  	s2 =	spop (v2sf)  }
0xca: {  	s30 =	spop (v2sf)  }
0xcb: {  	p0 =	seq.s32 s16, s2;
	p1 =	seq.s32 s30, s16  }
0xcc: {  	p1 =	por p0, p1  }
0xcd: {  	v4 =	vpsel p1, $0xFFFFFFFF, v4  }
0xce: {  	[tilespmem:s18+$0x0] =	vst.msk $0x1, v4  }
0xcf: {  	v4 =	vld [tilespmem:$0x30]  }
0xd0: {  	v5 =	vld [tilespmem:$0x3300]  }
0xd1: {  	v6 =	vld [tilespmem:$0x40];
	_ =	sdelay $0x3  }
0xd2: {  	vm4 =	vmmov vm1;
	v5 =	vadd.f32 v5, v4  }
0xd3: {  	vm5 =	vmmov vm2;
	s31 =	simm.s32 $0x3300;
	vm4 =	vmmov @p0 vm2;
	v4 =	vadd.f32 v6, v4  }
0xd4: {  	vm5 =	vmmov @p1 vm1;
	[tilespmem:s31+$0x0] =	vst.msk vm4, v5  }
0xd5: {  	[tilespmem:s19+$0x0] =	vst.msk vm5, v4  }
0xd6: {  	v4 =	vld [tilespmem:$0x28F0];
	_ =	sdelay $0x3  }
0xd7: {  	v5 =	vimm.f32 $0.0e+00  }
0xd8: {  	v4 =	vshift.insert v4, v5, s20;
	_ =	sdelay $0x1  }
0xd9: {  	[tilespmem:s21+$0x0] =	vst.msk $0x1, v4  }
0xda: {  	[tilespmem:s22+$0x0] =	vst.msk $0x1, v5  }
0xdb: {  	v4 =	vld [tilespmem:$0xAF0];
	_ =	sdelay $0x4  }
0xdc: {  	v4 =	vshift.insert v4, v1, s20;
	_ =	sdelay $0x1  }
0xdd: {  	[tilespmem:s23+$0x0] =	vst.msk $0x1, v4  }
0xde: {  	s17 =	simm.s32 $0x100;
	v6 =	vld [tilespmem:s31+$0x0]  }
0xdf: {  	v7 =	vld [tilespmem:s17+$0x0];
	_ =	sdelay $0x3  }
0xe0: {  	v5 =	vadd.f32 v6, v5  }
0xe1: {  	vm4 =	vne.s32 v7, $0xFFFFFFFF  }
0xe2: {  	(xrf2) =	vadd.seg.scan.f32 vm4, v5;
	_ =	sdelay $0x3  }
0xe3: {  	s0 =	simm.s32 $0x1F00;
	v5 =	vperm.xlane v4, v1  }
0xe4: {  	v6 =	vld [tilespmem:s0+$0x0]  }
0xe5: {  	vm5 =	veq.s32 v7, v3;
	vm6 =	veq.s32 v7, v5  }
0xe6: {  	vm7 =	vgt.u32 v7, $0xFFFFFFFD;
	vm6 =	vmor vm6, vm5  }
0xe7: {  	vm6 =	vmor vm6, vm7  }
0xe8: {  	v9 =	vld [tilespmem:$0xA0];
	v7 =	vsel vm6, $0xFFFFFFFF, v7  }
0xe9: {  	v10 =	vld [tilespmem:$0x90];
	v6 =	vsel vm5, $0x0, v6;
	v8, _, _ =	vpop (xrf2)  }
0xea: {  	v6 =	vadd.f32 v8, v6  }
0xeb: {  	s2 =	simm.s32 $0x4700  }
0xec: {  	vm4 =	vmand vm4, vm3;
	[tilespmem:s2+$0x0] =	vst v6;
	(ifvalue) =	ssetifvalue $0xFFFFFFFF  }
0xed: {  	vm6 =	veq.s32 v9, $0x1;
	[hbm4b:s1+s14] =	stream.indirect_vreg.scatter [tilespmem:s2], [sflag:$0x2], $0x1, v7, vm0, $0x4038;
	v7 =	vsel vm4, $0x0, v8;
	[tilespmem:$0x5B20] =	vst v63  }
0xee: {  	s16 =	simm.s32 $0x0;
	s17 =	simm.s32 $0x110;
	vm4 =	vmor vm6, vm5;
	v6 =	vsel vm5, v8, v10;
	v7 =	vshift.insert v7, v0, s20  }
.LBB3_9:
0xef: {  	v8 =	vld [tilespmem:s17+$0x0];
	s31 =	sadd.s32 $0x10, s31  }
0xf0: {  	s0 =	sadd.s32 $0x10, s0;
	v9 =	vld [tilespmem:s31+$0x0]  }
0xf1: {  	s16 =	sadd.s32 $0x10, s16;
	v10 =	vld [tilespmem:s0+$0x0]  }
0xf2: {  	p0 =	slt.u32 s16, $0x9F0;
	_ =	sdelay $0x2  }
0xf3: {  	v7 =	vadd.f32 v9, v7  }
0xf4: {  	vm5 =	vne.s32 v8, $0xFFFFFFFF  }
0xf5: {  	vm6 =	vmand vm5, vm3;
	(xrf2) =	vadd.seg.scan.f32 vm5, v7;
	_ =	sdelay $0x5  }
0xf6: {  	vm7 =	veq.s32 v8, v5;
	vm5 =	veq.s32 v8, v3  }
0xf7: {  	vm8 =	vgt.u32 v8, $0xFFFFFFFD;
	vm4 =	vmor vm4, vm5;
	vm7 =	vmor vm7, vm5  }
0xf8: {  	vm7 =	vmor vm7, vm8  }
0xf9: {  	v8 =	vsel vm7, $0xFFFFFFFF, v8  }
.Ltmp12:
0xfa: {  	v7 =	vsel vm5, $0x0, v10;
	v9, _, _ =	vpop (xrf2);
	(pc) =	sbr.rel @p0 .LBB3_9-.Ltmp12, $4  }
0xfb: {  	v6 =	vsel vm5, v9, v6;
	v10 =	vadd.f32 v9, v7;
	v7 =	vsel vm6, $0x0, v9  }
0xfc: {  	s2 =	sadd.s32 $0x10, s2;
	v7 =	vshift.insert v7, v0, s20  }
0xfd: {  	s17 =	sadd.s32 $0x10, s17;
	[tilespmem:s2+$0x0] =	vst v10;
	(ifvalue) =	ssetifvalue $0xFFFFFFFF  }
0xfe: {  	[hbm4b:s1+s14] =	stream.indirect_vreg.scatter [tilespmem:s2], [sflag:$0x2], $0x1, v8, vm0, $0x4038;
	[tilespmem:$0x5B20] =	vst v63  }
0xff: {  	v3 =	vld [tilespmem:$0x50F0];
	_ =	sdelay $0x4  }
0x100: {  	v3 =	vshift.insert v3, v0, s20;
	_ =	sdelay $0x1  }
0x101: {  	[tilespmem:s24+$0x0] =	vst.msk $0x1, v3  }
0x102: {  	v3 =	vsel vm4, $0x1, v1;
	[tilespmem:$0x90] =	vst v6  }
0x103: {  	[tilespmem:$0xA0] =	vst v3  }
0x104: {  	[spmem:s12] =	stream.linear.scatter [tilespmem:s25], [sflag:$0x1], $0x1, $0x38;
	[tilespmem:$0x5B20] =	vst v63  }
0x105: {  	v3 =	vmctz.xlane vm4;
	_ =	swait.ge [sflag:s3], $0x1  }
0x106: {  	(v2sf) =	vpush v4, $0x0  }
0x107: {  	(v2sf) =	vpush v3, $0x0;
	_ =	sdelay $0xd  }
0x108: {  	s0 =	spop (v2sf)  }
0x109: {  	s2 =	spop (v2sf)  }
0x10a: {  	[sflag:s3] =	ssyncset.done $0x0;
	p0 =	sne.s32 s30, s0;
	p1 =	slt.s32 s2, $0xF  }
0x10b: {  	[sflag:s3] =	ssyncadd.s32 $0xFFFFFFFF;
	v3 =	vimm.s32 @!p0 $0xFFFFFFFF;
	s2 =	simm.s32 @!p1 $0xF  }
0x10c: {  	[tilespmem:$0x80] =	vst @!p0 v3;
	s31 =	sadd.s32 $0x90, s2  }
0x10d: {  	[spmem:s10] =	stream.linear.scatter [tilespmem:s31], [sflag:$0x1], $0x1, $0x38;
	[tilespmem:$0x5B20] =	vst v63  }
0x10e: {  	_ =	swait.ge [sflag:s3], $0x1  }
0x10f: {  	[sflag:s3] =	ssyncset.done $0x0  }
0x110: {  	[sflag:s3] =	ssyncadd.s32 $0xFFFFFFFF  }
0x111: {  	[spmem:s13] =	stream.linear.scatter [tilespmem:s26], [sflag:$0x1], $0x1, $0x38;
	[tilespmem:$0x5B20] =	vst v63  }
0x112: {  	_ =	swait.ge [sflag:s3], $0x1  }
0x113: {  	[sflag:s3] =	ssyncset.done $0x0  }
0x114: {  	[sflag:s3] =	ssyncadd.s32 $0xFFFFFFFF;
	(ifvalue) =	ssetifvalue $0xFFFFFFFF;
	v3 =	vld [tilespmem:$0x10];
	_ =	sdelay $0x3  }
.Ltmp13:
0x115: {  	_ = 	snop;
	(pc) =	sbr.rel .LBB3_4-.Ltmp13, $3  }
0x116: {  	_ =	sdelay $0x1  }
0x117: {  	(ifvalue) =	ssetifvalue $0xFFFFFFFF  }
0x118: {  	[hbm4b:s1+s14] =	stream.indirect_vreg.scatter [tilespmem:s19], [sflag:$0x9], $0x1, v3, vm0, $0x4038;
	[tilespmem:$0x5B20] =	vst v63  }
.LBB3_12:
0x119: {  	s0 =	simm.s32 $0x2  }
0x11a: {  	_ =	swait.ge [sflag:s0], $0xA00  }
0x11b: {  	[sflag:s0] =	ssyncset.done $0x0  }
0x11c: {  	s31 =	simm.s32 $0x9;
	[sflag:s0] =	ssyncadd.s32 $0xFFFFF600  }
0x11d: {  	_ =	swait.ge [sflag:s31], $0x10  }
0x11e: {  	[sflag:s31] =	ssyncset.done $0x0  }
0x11f: {  	[sflag:s31] =	ssyncadd.s32 $0xFFFFFFF0  }
.LBB3_13:
0x120: {  	_ =	sfence.sel $0x180000  }
0x121: {  	s0 =	simm.s32 $0x7;
	[bflag:$0x0] =	sbarrier.arrive $0xFFFF  }
0x122: {  	s26 =	simm.s32 $0x8;
	[sflag:s0] =	ssyncpa.u1 $0x1  }
0x123: {  	s28 =	simm.s32 $0x9;
	[sflag:s26] =	ssyncpa.u1 $0x1  }
0x124: {  	[sflag:s28] =	ssyncpa.u1 $0x1  }
0x125: {  	_ =	sfence.stream.spmem  }
0x126: {  	s29 =	simm.s32 $0x3;
	[bflag:$0x0] =	sbarrier.arrive $0xFFFF  }
0x127: {  	s30 =	simm.s32 $0x4;
	[sflag:s29] =	ssyncpa.u1 $0x1  }
0x128: {  	s31 =	simm.s32 $0x3C;
	s2 =	stileid.u32;
	[sflag:s30] =	ssyncpa.u1 $0x1  }
0x129: {  	p0 =	sne.s32 s2, $0x0;
	[sflag:s31] =	ssyncpa.u1 $0x1  }
0x12a: {  	s0 =	simm.s32 @p0 $0x1;
	_ =	sfence @p0  }
0x12b: {  	[sflag:s0] =	ssyncpa.u1 @p0 $0x1;
	s0 =	simm.s32 @p0 $0x2  }
0x12c: {  	[sflag:s0] =	ssyncpa.u1 @p0 $0x1  }
0x12d: {  	_ =	strace @p0 $0x90000050  }
0x12e: {  	[bflag:$0x2] =	sbarrier.arrive @p0 $0xFFFF  }
0x12f: {  	_ =	shalt @p0  }
.LBB3_14:
0x130: {  	_ =	sfence.stream.spmem;
	s0 =	simm.s32 $0x5  }
0x131: {  	s2 =	simm.s32 $0x80;
	s3 =	simm.s32 $0xC0;
	[sflag:s0] =	ssyncpa.u1 $0x0  }
0x132: {  	[tilespmem:s3], [sflag:$0x5] =	stream.linear.gather [spmem:s2], $0x20, $0x38;
	[tilespmem:$0x5B20] =	vst v63  }
0x133: {  	s2 =	simm.s32 $0x0;
	s3 =	simm.s32 $0xE0  }
0x134: {  	[tilespmem:s3], [sflag:$0x5] =	stream.linear.gather [spmem:s2], $0x20, $0x38;
	[tilespmem:$0x5B20] =	vst v63  }
.Ltmp14:
0x135: {  	_ = 	snop;
	(pc) =	sbr.rel .LBB3_15-.Ltmp14, $4  }
0x136: {  	_ =	swait.ge [sflag:s0], $0x40  }
0x137: {  	[sflag:s0] =	ssyncset.done $0x0  }
0x138: {  	s31 =	simm.s32 $0x6;
	[sflag:s0] =	ssyncadd.s32 $0xFFFFFFC0  }
0x139: {  	s4 =	simm.s32 $0x0;
	[sflag:s31] =	ssyncpa.u1 $0x0  }
.LBB3_20:
0x13a: {  	p0 =	sgt.u32 s0, $0x9FFF  }
0x13b: {  	s5 =	sshrl.u32 @!p0 s0, $0x3  }
0x13c: {  	s0 =	sand.u32 @!p0 $0x7, s0;
	s6 =	simm.s32 @!p0 $0xB0;
	s5 =	sadd.s32 @!p0 s1, s5  }
0x13d: {  	[tilespmem:s6], [sflag:$0x6] =	stream.linear.gather @!p0 [hbm4b:s5+s0], $0x1, $0x38;
	[tilespmem:$0x5B20] =	vst v63  }
0x13e: {  	s0 =	simm.s32 @!p0 $0x6  }
0x13f: {  	_ =	swait.ge @!p0 [sflag:s0], $0x1  }
0x140: {  	[sflag:s0] =	ssyncset.done @!p0 $0x0  }
0x141: {  	[sflag:s0] =	ssyncadd.s32 @!p0 $0xFFFFFFFF  }
0x142: {  	v2 =	vmov @!p0 s4;
	v1 =	vld.msk @!p0 [tilespmem:$0xB0], $0x1;
	_ =	sdelay $0x3  }
0x143: {  	s0 =	simm.s32 @!p0 $0xE0  }
0x144: {  	[tilespmem:v2+s0+$0x0], v1 =	vst.idx.ret.add.f32.msk @!p0 $0x1, v1  }
0x145: {  	[tilespmem:s2+$0xC0] =	vst.msk $0x1, v0  }
0x146: {  	v0 =	vld.msk [tilespmem:s4+$0xE0], $0x1;
	_ =	sdelay $0x4  }
0x147: {  	[tilespmem:s2+$0xE0] =	vst.msk $0x1, v0;
	s2 =	sadd.s32 $0x1, s2  }
.LBB3_22:
0x148: {  	s4 =	sadd.s32 $0x1, s4  }
0x149: {  	p0 =	sne.s32 s4, $0x20  }
.Ltmp15:
0x14a: {  	_ = 	snop;
	(pc) =	sbr.rel @!p0 .LBB3_23-.Ltmp15, $1  }
0x14b: {  	_ =	sdelay $0x3  }
.LBB3_15:
0x14c: {  	v0 =	vld.msk [tilespmem:s4+$0xC0], $0x1;
	_ =	sdelay $0x4  }
0x14d: {  	(v2sf) =	vpush v0, $0x0;
	_ =	sdelay $0xe  }
0x14e: {  	s0 =	spop (v2sf)  }
0x14f: {  	p0 =	seq.s32 s0, $0xFFFFFFFF  }
.Ltmp16:
0x150: {  	_ = 	snop;
	(pc) =	sbr.rel @p0 .LBB3_22-.Ltmp16, $1  }
0x151: {  	_ =	sdelay $0x3  }
0x152: {  	p0 =	slt.s32 s2, $0x1  }
.Ltmp17:
0x153: {  	_ = 	snop;
	(pc) =	sbr.rel @p0 .LBB3_20-.Ltmp17, $1  }
0x154: {  	_ =	sdelay $0x3  }
0x155: {  	s5 =	simm.s32 $0xC0;
	p0 =	por $0x0, $0x0  }
0x156: {  	v1 =	vld.msk @!p0 [tilespmem:s5+$0x0], $0x1;
	_ =	sdelay $0x4  }
0x157: {  	(v2sf) =	vpush @!p0 v1, $0x0;
	_ =	sdelay $0xd  }
0x158: {  	p2 =	sne.s32 s2, $0x1  }
.Ltmp18:
0x159: {  	s6 =	spop @!p0 (v2sf);
	(pc) =	sbr.rel @!p2 .LBB3_19-.Ltmp18, $4  }
0x15a: {  	p1 =	seq.s32 @!p0 s0, s6  }
0x15b: {  	s6 =	simm.s32 $0x0;
	p1 =	por !p1, p0  }
0x15c: {  	s8 =	simm.s32 $0xFFFFFFFF;
	s6 =	simm.s32 @p1 $0xFFFFFFFF  }
0x15d: {  	s7 =	simm.s32 $0x1;
	s6 =	smov.u32 @p0 s8  }
.LBB3_18:
0x15e: {  	s8 =	smov.u32 s6;
	p0 =	sne.s32 s6, $0xFFFFFFFF  }
0x15f: {  	s5 =	sadd.s32 $0x1, s5;
	s6 =	smov.u32 s7;
	s7 =	sadd.s32 $0x1, s7  }
0x160: {  	p1 =	sne.s32 s2, s7;
	v1 =	vld.msk @!p0 [tilespmem:s5+$0x0], $0x1;
	_ =	sdelay $0x4  }
0x161: {  	(v2sf) =	vpush @!p0 v1, $0x0;
	_ =	sdelay $0xe  }
.Ltmp19:
0x162: {  	s9 =	spop @!p0 (v2sf);
	(pc) =	sbr.rel @p1 .LBB3_18-.Ltmp19, $4  }
0x163: {  	p2 =	seq.s32 @!p0 s0, s9  }
0x164: {  	p2 =	por !p2, p0  }
0x165: {  	s6 =	simm.s32 @p2 $0xFFFFFFFF  }
0x166: {  	s6 =	smov.u32 @p0 s8  }
.LBB3_19:
0x167: {  	p0 =	sne.s32 s6, $0xFFFFFFFF  }
.Ltmp20:
0x168: {  	_ = 	snop;
	(pc) =	sbr.rel @!p0 .LBB3_20-.Ltmp20, $1  }
0x169: {  	_ =	sdelay $0x3  }
0x16a: {  	v0 =	vld.msk [tilespmem:s4+$0xE0], $0x1;
	v1 =	vmov s6  }
.Ltmp21:
0x16b: {  	_ = 	snop;
	(pc) =	sbr.rel .LBB3_22-.Ltmp21, $2  }
0x16c: {  	_ =	sdelay $0x2  }
0x16d: {  	[tilespmem:v1+s3+$0x0], v0 =	vst.idx.ret.add.f32.msk $0x1, v0  }
.LBB3_23:
0x16e: {  	p0 =	slt.s32 s2, $0x1  }
.Ltmp22:
0x16f: {  	_ = 	snop;
	(pc) =	sbr.rel @p0 .LBB3_27-.Ltmp22, $3  }
0x170: {  	_ =	sdelay $0x1  }
0x171: {  	s0 =	simm.s32 $0x6  }
0x172: {  	[sflag:s0] =	ssyncpa.u1 $0x1;
	s0 =	simm.s32 $0x0  }
0x173: {  	s3 =	simm.s32 $0xC0  }
0x174: {  	v0 =	vld.msk [tilespmem:s3+$0x0], $0x1;
	_ =	sdelay $0x4  }
0x175: {  	(v2sf) =	vpush v0, $0x0;
	_ =	sdelay $0xe  }
0x176: {  	s2 =	sadd.s32 $0xFFFFFFFF, s2;
	s4 =	spop (v2sf)  }
0x177: {  	p1 =	sne.s32 s2, $0x0;
	p0 =	sgt.u32 s4, $0x9FFF  }
.Ltmp23:
0x178: {  	s5 =	sshrl.u32 @!p0 s4, $0x3;
	(pc) =	sbr.rel @!p1 .LBB3_26-.Ltmp23, $4  }
0x179: {  	s3 =	simm.s32 $0xE0;
	s4 =	sand.u32 @!p0 $0x7, s4;
	s5 =	sadd.s32 @!p0 s1, s5  }
0x17a: {  	[hbm4b:s5+s4] =	stream.linear.scatter @!p0 [tilespmem:s3], [sflag:$0x5], $0x1, $0x38;
	[tilespmem:$0x5B20] =	vst v63  }
0x17b: {  	s5 =	simm.s32 $0x0  }
0x17c: {  	s4 =	simm.s32 $0xC1;
	s5 =	simm.s32 @!p0 $0x4  }
.LBB3_25:
0x17d: {  	v0 =	vld.msk [tilespmem:s4+$0x0], $0x1;
	s2 =	sadd.s32 $0xFFFFFFFF, s2;
	s0 =	sadd.s32 s0, s5  }
0x17e: {  	p0 =	sne.s32 s2, $0x0;
	_ =	sdelay $0x3  }
0x17f: {  	(v2sf) =	vpush v0, $0x0;
	_ =	sdelay $0xe  }
.Ltmp24:
0x180: {  	s6 =	spop (v2sf);
	(pc) =	sbr.rel @p0 .LBB3_25-.Ltmp24, $4  }
0x181: {  	s5 =	simm.s32 $0x0;
	p1 =	sgt.u32 s6, $0x9FFF  }
0x182: {  	s3 =	sadd.s32 $0x1, s3;
	s5 =	simm.s32 @!p1 $0x4;
	s7 =	sshrl.u32 @!p1 s6, $0x3  }
0x183: {  	s4 =	sadd.s32 $0x1, s4;
	s6 =	sand.u32 @!p1 $0x7, s6;
	s7 =	sadd.s32 @!p1 s1, s7  }
0x184: {  	[hbm4b:s7+s6] =	stream.linear.scatter @!p1 [tilespmem:s3], [sflag:$0x5], $0x1, $0x38;
	[tilespmem:$0x5B20] =	vst v63  }
.LBB3_26:
0x185: {  	s0 =	sadd.s32 s0, s5  }
0x186: {  	s0 =	sshrl.u32 s0, $0x2  }
.LBB3_27:
0x187: {  	s1 =	simm.s32 $0x5  }
0x188: {  	_ =	swait.ge [sflag:s1], s0  }
0x189: {  	s28 =	ssub.s32 $0x0, s0;
	[sflag:s1] =	ssyncset.done $0x0  }
0x18a: {  	[sflag:s1] =	ssyncadd.s32 s28  }
0x18b: {  	[sflag:s1] =	ssyncpa.u1 $0x1  }
0x18c: {  	s29 =	simm.s32 $0x1;
	_ =	sfence  }
0x18d: {  	s30 =	simm.s32 $0x2;
	[sflag:s29] =	ssyncpa.u1 $0x1  }
0x18e: {  	[sflag:s30] =	ssyncpa.u1 $0x1  }
0x18f: {  	_ =	strace $0x90000050  }
0x190: {  	[bflag:$0x2] =	sbarrier.arrive $0xFFFF  }
0x191: {  	s31 =	rddreg [dreg:$0x1]  }
0x192: {  	s0 =	sadd.s32 $0x100000, s31  }
0x193: {  	[sflag:s0] =	ssyncadd.tile.s32 $0x1;
	_ =	shalt  }
.Lfunc_end3:
_tile_overlayer_lowered:
.L_overlay_start_3:
0x194: {  	(tag) =	ssettag $0x3  }
0x195: {  	s0 =	rddreg [dreg:$0x0];
	s2 =	stileid.u32  }
0x196: {  	s1 =	rddreg [dreg:$0x1];
	p0 =	sne.s32 s2, $0x0  }
0x197: {  	s3 =	rddreg [dreg:$0x2];
	[bflag:$0x3] =	sbarrier.arrive $0xFFFF;
	s2 =	simm.s32 @!p0 $0x1C01  }
0x198: {  	[timem:s3], [sflag:s2] =	dma.local @!p0 [hbm:s0], s1  }
0x199: {  	s0 =	simm.s32 @!p0 $0x1  }
0x19a: {  	_ =	swait.ge @!p0 [sflag:s0], s1  }
0x19b: {  	s1 =	ssub.s32 @!p0 $0x0, s1;
	[sflag:s0] =	ssyncset.done @!p0 $0x0  }
0x19c: {  	[sflag:s0] =	ssyncadd.s32 @!p0 s1  }
0x19d: {  	[bflag:$0x3] =	sbarrier.arrive $0xFFFF  }
0x19e: {  	_ =	shalt  }

// kernel: scatter_offload_async_start.2
scs
__scs_entry_jumppad:
0x0: {  	(pc) =	sbr.rel $0x88, $3  }
0x1: {  	(tag) =	ssettag $0x0;
	lr =	simm.s32 $0x1  }
0x2: {  	[smem:$0x3F9B] =	sst lr;
	_ =	strace $0xD0000000  }
0x3: {  	_ = 	snop  }
0x4: {  	_ = 	snop  }
0x5: {  	_ = 	snop  }
0x6: {  	_ = 	snop  }
0x7: {  	_ = 	snop  }
__scs_overlays_trampoline_lowered:
0x8: {  	[smem:$0x3FAA] =	sst s0  }
0x9: {  	[smem:$0x3FAB] =	sst s1  }
0xa: {  	[smem:$0x3FAC] =	sst s2  }
0xb: {  	[smem:$0x3FAD] =	sst s3  }
0xc: {  	[smem:$0x3FAE] =	sst s4  }
0xd: {  	[smem:$0x3FAF] =	sst s5  }
0xe: {  	[smem:$0x3FB0] =	sst s6  }
0xf: {  	[smem:$0x3FB1] =	sst s7  }
0x10: {  	[smem:$0x3FB2] =	sst s8  }
0x11: {  	[smem:$0x3FB3] =	sst s9;
	s0 =	simm.s32 @!p0 $0x0  }
0x12: {  	s1 =	sld [smem:$0x3F99];
	s0 =	simm.s32 @p0 $0x1  }
0x13: {  	[smem:$0x3FB4] =	sst s0;
	s0 =	simm.s32 @!p1 $0x0  }
0x14: {  	s2 =	sld [smem:$0x3F98];
	s0 =	simm.s32 @p1 $0x1  }
0x15: {  	[smem:$0x3FB5] =	sst s0;
	s0 =	simm.s32 @!p2 $0x0  }
0x16: {  	s3 =	sld [smem:$0x3FDB];
	s0 =	simm.s32 @p2 $0x1  }
0x17: {  	s4 =	simm.s32 $0x1BF5;
	[smem:$0x3FB7] =	sst s0  }
0x18: {  	s0 =	sld [smem:$0x3F9A];
	_ =	swait.ge [sflag:s4], $0x0  }
0x19: {  	s7 =	sld [smem:$0x3F9B]  }
0x1a: {  	s8 =	sadd.s32 $0xFFFFE003, lr  }
0x1b: {  	s9 =	sadd.s32 $0xFFFFFEF7, lr;
	s5 =	simm.s32 $0xFFFFFFFF;
	p2 =	slt.u32 s8, $0xFFFFF086  }
0x1c: {  	p1 =	slt.u32 s9, $0xF7A;
	s5 =	simm.s32 @!p2 $0x0  }
0x1d: {  	s5 =	simm.s32 @p1 $0x1;
	p0 =	seq.s32 s7, s2  }
0x1e: {  	s7 =	smul.u32 @!p0 $0xF7A, s2;
	p2 =	seq.s32 @!p0 s5, $0x0  }
0x1f: {  	s9 =	smul.u32 $0xF7A, s1;
	s8 =	simm.s32 @!p0 $0x1BF5;
	p2 =	por !p2, p0  }
0x20: {  	[sflag:s8] =	ssyncset.s32 @!p0 $0xFFFFF086;
	s6 =	sadd.s32 @!p0 s3, s7;
	s7 =	simm.s32 @!p0 $0x108  }
0x21: {  	s3 =	sadd.s32 s3, s9;
	s6 =	sadd.s32 @!p0 $0x88, s6;
	s7 =	simm.s32 @p2 $0x1082  }
0x22: {  	[simem:s7], [sflag:s8] =	dma.local @!p0 [hbm:s6], $0xF7A  }
0x23: {  	s9 =	sor.u32 $0xD0000000, s2;
	s6 =	simm.s32 $0x108;
	_ =	swait.ge @!p0 [sflag:s8], $0x0  }
0x24: {  	s3 =	sadd.s32 $0x88, s3;
	s6 =	simm.s32 @!p1 $0x1082;
	[sflag:s4] =	ssyncset.s32 $0xFFFFF086  }
0x25: {  	[simem:s6], [sflag:s4] =	dma.local [hbm:s3], $0xF7A  }
0x26: {  	[smem:$0x3F9B] =	sst s1;
	(tag) =	ssettag s2;
	_ =	strace s9  }
0x27: {  	s1 =	sld [smem:$0x3FAB]  }
0x28: {  	s2 =	sld [smem:$0x3FAC]  }
0x29: {  	s4 =	sld [smem:$0x3FAE]  }
0x2a: {  	p0 =	seq.s32 s5, $0x0;
	s5 =	sld [smem:$0x3FAF]  }
0x2b: {  	s6 =	sld [smem:$0x3FB0]  }
0x2c: {  	s7 =	sld [smem:$0x3FB1]  }
0x2d: {  	s3 =	simm.s32 $0x108;
	s8 =	sld [smem:$0x3FB2]  }
0x2e: {  	s3 =	simm.s32 @!p0 $0x1082;
	s9 =	sld [smem:$0x3FB3]  }
0x2f: {  	lr =	sadd.s32 s0, s3;
	s0 =	sld [smem:$0x3FAA]  }
0x30: {  	s3 =	sld [smem:$0x3FAD]  }
0x31: {  	[smem:$0x3FB6] =	sst s10  }
0x32: {  	s10 =	sld [smem:$0x3FB4];
	_ =	sdelay $0x3  }
0x33: {  	p0 =	seq.s32 s10, $0x1;
	s10 =	sld [smem:$0x3FB6];
	_ =	sdelay $0x3  }
0x34: {  	[smem:$0x3FB6] =	sst s10  }
0x35: {  	s10 =	sld [smem:$0x3FB5];
	_ =	sdelay $0x3  }
0x36: {  	p1 =	seq.s32 s10, $0x1;
	s10 =	sld [smem:$0x3FB6];
	_ =	sdelay $0x3  }
0x37: {  	[smem:$0x3FB6] =	sst s10  }
0x38: {  	s10 =	sld [smem:$0x3FB7]  }
0x39: {  	_ = 	snop;
	(pc) =	sbr.ind lr, $3  }
0x3a: {  	_ = 	snop  }
0x3b: {  	_ = 	snop  }
0x3c: {  	p2 =	seq.s32 s10, $0x1;
	s10 =	sld [smem:$0x3FB6]  }
0x3d: {  	_ =	shalt  }
0x3e: {  	_ =	shalt  }
0x3f: {  	_ =	shalt  }
0x40: {  	_ =	shalt  }
0x41: {  	_ =	shalt  }
0x42: {  	_ =	shalt  }
0x43: {  	_ =	shalt  }
0x44: {  	_ =	shalt  }
0x45: {  	_ =	shalt  }
0x46: {  	_ =	shalt  }
0x47: {  	_ =	shalt  }
0x48: {  	_ =	shalt  }
0x49: {  	_ =	shalt  }
0x4a: {  	_ =	shalt  }
0x4b: {  	_ =	shalt  }
0x4c: {  	_ =	shalt  }
0x4d: {  	_ =	shalt  }
0x4e: {  	_ =	shalt  }
0x4f: {  	_ =	shalt  }
0x50: {  	_ =	shalt  }
0x51: {  	_ =	shalt  }
0x52: {  	_ =	shalt  }
0x53: {  	_ =	shalt  }
0x54: {  	_ =	shalt  }
0x55: {  	_ =	shalt  }
0x56: {  	_ =	shalt  }
0x57: {  	_ =	shalt  }
0x58: {  	_ =	shalt  }
0x59: {  	_ =	shalt  }
0x5a: {  	_ =	shalt  }
0x5b: {  	_ =	shalt  }
0x5c: {  	_ =	shalt  }
0x5d: {  	_ =	shalt  }
0x5e: {  	_ =	shalt  }
0x5f: {  	_ =	shalt  }
0x60: {  	_ =	shalt  }
0x61: {  	_ =	shalt  }
0x62: {  	_ =	shalt  }
0x63: {  	_ =	shalt  }
0x64: {  	_ =	shalt  }
0x65: {  	_ =	shalt  }
0x66: {  	_ =	shalt  }
0x67: {  	_ =	shalt  }
0x68: {  	_ =	shalt  }
0x69: {  	_ =	shalt  }
0x6a: {  	_ =	shalt  }
0x6b: {  	_ =	shalt  }
0x6c: {  	_ =	shalt  }
0x6d: {  	_ =	shalt  }
0x6e: {  	_ =	shalt  }
0x6f: {  	_ =	shalt  }
0x70: {  	_ =	shalt  }
0x71: {  	_ =	shalt  }
0x72: {  	_ =	shalt  }
0x73: {  	_ =	shalt  }
0x74: {  	_ =	shalt  }
0x75: {  	_ =	shalt  }
0x76: {  	_ =	shalt  }
0x77: {  	_ =	shalt  }
0x78: {  	_ =	shalt  }
0x79: {  	_ =	shalt  }
0x7a: {  	_ =	shalt  }
0x7b: {  	_ =	shalt  }
0x7c: {  	_ =	shalt  }
0x7d: {  	_ =	shalt  }
0x7e: {  	_ =	shalt  }
0x7f: {  	_ =	shalt  }
0x80: {  	_ =	shalt  }
0x81: {  	_ =	shalt  }
0x82: {  	_ =	shalt  }
0x83: {  	_ =	shalt  }
0x84: {  	_ =	shalt  }
0x85: {  	_ =	shalt  }
0x86: {  	_ =	shalt  }
0x87: {  	_ =	shalt  }
.Lfunc_end0:
.L_simem_size_0:
called_computation.2_lowered:
.L_overlay_start_0:
0x88: {  	s0 =	sld [smem:$0x3FD9]  }
0x89: {  	s1 =	sld [smem:$0x3FFE];
	_ =	sdelay $0x3  }
0x8a: {  	s0 =	sadd.s32 s1, s0  }
0x8b: {  	[smem:$0x3FC2] =	sst s0  }
0x8c: {  	_ = 	snop  }
0x8d: {  	(tm) =	ssettm $0x1  }
0x8e: {  	s15 =	sld [smem:$0x3FFB];
	_ =	sdelay $0x3  }
0x8f: {  	_ =	strace s15  }
0x90: {  	s0 =	sld [smem:$0x3FFC];
	_ =	sdelay $0x3  }
0x91: {  	_ =	strace s0  }
0x92: {  	s0 =	sld [smem:$0x3FFD];
	_ =	sdelay $0x3  }
0x93: {  	_ =	strace s0  }
0x94: {  	_ =	strace $0x8FFFFFFF  }
0x95: {  	s16 =	sld [smem:$0x3FDB];
	_ =	sdelay $0x1  }
0x96: {  	s17 =	simm.s32 $_scs_section_size  }
0x97: {  	s2 =	simm.s32 $_size__tile_overlayer_lowered;
	s3 =	simm.s32 $_tile_overlayer_lowered  }
0x98: {  	s20 =	simm.s32 $0x1BFF;
	s19 =	sshll.u32 s3, $0x1;
	s0 =	sadd.s32 s17, s16  }
0x99: {  	s4 =	simm.s32 $0x0;
	s18 =	sshll.u32 s2, $0x1;
	s2 =	sadd.s32 s19, s0  }
0x9a: {  	[timem:s4], [sflag:s20] =	dma.local [hbm:s2], s18  }
0x9b: {  	_ =	swait.ge [sflag:s20], s18  }
0x9c: {  	s1 =	ssub.s32 $0x0, s18;
	[sflag:s20] =	ssyncset.done $0x0  }
0x9d: {  	[sflag:s20] =	ssyncadd.s32 s1;
	_ =	sdelay $0x1  }
0x9e: {  	s21 =	simm.s32 $0x1B8B  }
0x9f: {  	_ =	swait.ge [sflag:s21], $0x1  }
0xa0: {  	[sflag:s21] =	ssyncset.done $0x0  }
0xa1: {  	s23 =	simm.s32 $0x1B8E;
	s22 =	sld [smem:$0x3FFE];
	[sflag:s21] =	ssyncadd.s32 $0xFFFFFFFF  }
0xa2: {  	s24 =	simm.s32 $execute0_lowered;
	[smem:$0x3FD2] =	sst s23  }
0xa3: {  	s2 =	sshll.u32 s24, $0x1;
	_ =	strace $0x80000052;
	[dreg:$0x1] =	wrdreg $0xFFFFFFFF  }
0xa4: {  	s25 =	simm.s32 $_size_execute0_lowered;
	s0 =	sadd.s32 s0, s2;
	[dreg:$0x0] =	wrdreg $0x0  }
0xa5: {  	s2 =	sshll.u32 s25, $0x1;
	[dreg:$0x2] =	wrdreg s0  }
0xa6: {  	[dreg:$0x3] =	wrdreg s2  }
0xa7: {  	[dreg:$0x4] =	wrdreg $0xC0  }
0xa8: {  	_ =	task [dreg:s4], $0x5FFFF  }
0xa9: {  	[dreg:$0x1] =	wrdreg $0xFFFFFFFF  }
0xaa: {  	[dreg:$0x0] =	wrdreg $0x60  }
0xab: {  	[dreg:$0x2] =	wrdreg s22  }
0xac: {  	[dreg:$0x3] =	wrdreg $0x9  }
0xad: {  	_ =	task.clear_ibuf [dreg:s4], $0x4FFFF;
	_ =	strace $0x90000052  }
0xae: {  	s26 =	simm.s32 $0x9;
	_ =	strace $0x80000054  }
0xaf: {  	_ =	swait.ge [sflag:s26], $0x1  }
0xb0: {  	[sflag:s26] =	ssyncadd.s32 $0xFFFFFFFF  }
0xb1: {  	_ =	strace $0x90000054  }
0xb2: {  	_ =	sfence  }
0xb3: {  	s28 =	sld [smem:$0x0];
	_ =	sdelay $0x1  }
0xb4: {  	s29 =	srdreg.scid  }
0xb5: {  	s30 =	sshll.u32 s29, $0xD;
	s31 =	sshrl.u32 s29, $0x2  }
0xb6: {  	s1 =	sand.u32 $0x1, s29;
	s2 =	sand.u32 $0x4000, s30;
	s0 =	sadd.s32 s31, s28  }
0xb7: {  	s1 =	sor.u32 s2, s1;
	s0 =	sshll.u32 s0, $0x11  }
0xb8: {  	s0 =	sor.u32 s0, s1  }
0xb9: {  	s0 =	sadd.s32 $0x8F2B, s0  }
0xba: {  	[sflag:s0] =	ssyncadd.remote.s32 $0x1  }
0xbb: {  	_ =	sfence.sel $0xFFFF  }
0xbc: {  	[dreg:$0x0] =	wrdreg $0xFFFFFFFF;
	(pc) =	sbr.abs _section_cstart, $3  }
0xbd: {  	[dreg:$0x1] =	wrdreg $0xFFFFFFFF  }
0xbe: {  	_ =	task.clear_ibuf [dreg:s4], $0x2FFFF;
	_ =	strace $0x9FFFFFFF  }
0xbf: {  	(tm) =	ssettm $0x7FFFFFFF  }
tec
execute0_lowered:
.L_overlay_start_1:
0x0: {  	(tag) =	ssettag $0x1  }
0x1: {  	s3 =	rddreg [dreg:$0x0];
	_ =	strace $0x80000053;
	s4 =	simm.s32 $0x1  }
0x2: {  	v1 =	vimm.s32 $0xFFFFFFFF;
	[sflag:s4] =	ssyncpa.u1 $0x0  }
0x3: {  	[tilespmem:$0x10] =	vst v1  }
0x4: {  	v0 =	vimm.f32 $0.0e+00;
	[tilespmem:$0x20] =	vst v1  }
0x5: {  	[tilespmem:$0x30] =	vst v0  }
0x6: {  	s0 =	simm.s32 $0x2;
	s2 =	stileid.u32;
	[tilespmem:$0x40] =	vst v0  }
0x7: {  	s5 =	simm.s32 $0x7;
	s7 =	simm.s32 $0x8;
	s31 =	simm.s32 $0x9;
	[tilespmem:$0x50] =	vst v0  }
0x8: {  	s14 =	simm.s32 $0x0;
	s15 =	simm.s32 $0x100;
	s18 =	simm.s32 $0x10;
	[tilespmem:$0x60] =	vst v1  }
0x9: {  	s19 =	simm.s32 $0x5B00;
	s20 =	simm.s32 $0xF;
	s21 =	simm.s32 $0x50;
	[tilespmem:$0x70] =	vst v1  }
0xa: {  	s22 =	simm.s32 $0x28FF;
	s23 =	simm.s32 $0x20;
	s24 =	simm.s32 $0x30;
	[tilespmem:$0x80] =	vst v1  }
0xb: {  	s25 =	simm.s32 $0x50FF;
	s26 =	simm.s32 $0x80;
	s30 =	simm.s32 $0x0;
	v1 =	vimm.s32 $0x0;
	[tilespmem:$0xB0] =	vst v0  }
.Ltmp0:
0xc: {  	s29 =	simm.s32 $0x0;
	s1 =	sadd.s32 $0x5C00, s3;
	[tilespmem:$0x90] =	vst v1;
	(pc) =	sbr.rel .LBB2_1-.Ltmp0, $4  }
0xd: {  	s6 =	smul.u32 $0xA00, s2;
	s8 =	sadd.s32 $0x1400, s3;
	[tilespmem:$0xA0] =	vst v1;
	[sflag:s0] =	ssyncpa.u1 $0x0  }
0xe: {  	s10 =	sshll.u32 s2, $0x1;
	s12 =	sshllo.u32 s2, $0x1;
	[sflag:s5] =	ssyncpa.u1 $0x0  }
0xf: {  	vm0 =	vmmov $0xffff;
	v2 =	vlaneseq.u32;
	s11 =	sor.u32 $0x81, s10;
	s13 =	sor.u32 $0x80, s10;
	[sflag:s7] =	ssyncpa.u1 $0x0  }
0x10: {  	vm1 =	vmxor vm1, vm1;
	vm2 =	vmmov $0x1;
	vm3 =	vcmask $0x3F3C;
	s9 =	sadd.s32 $0xA00, s6;
	s28 =	smov.u32 s6;
	[sflag:s31] =	ssyncpa.u1 $0x0  }
.LBB2_3:
0x11: {  	s0 =	sshrl.u32 s28, $0x3  }
0x12: {  	s2 =	sand.u32 $0x7, s28;
	s0 =	sadd.s32 s3, s0  }
0x13: {  	[tilespmem:s15], [sflag:$0x7] =	stream.linear.gather [hbm4b:s0+s2], $0xA00, $0x38;
	[tilespmem:$0x5B20] =	vst v63  }
.LBB2_4:
0x14: {  	s0 =	sadd.s32 $0xA00, s28  }
0x15: {  	s2 =	smov.u32 s6;
	s29 =	sadd.s32 $0x1, s29;
	p0 =	slt.s32 s0, s9  }
0x16: {  	s2 =	smov.u32 @p0 s0;
	p0 =	sne.s32 s29, $0x4  }
.Ltmp1:
0x17: {  	_ = 	snop;
	(pc) =	sbr.rel @!p0 .LBB2_13-.Ltmp1, $2  }
0x18: {  	_ =	sdelay $0x2  }
0x19: {  	s30 =	smov.u32 s28;
	s28 =	smov.u32 s2  }
.LBB2_1:
0x1a: {  	p0 =	sgt.s32 s29, $0x1  }
.Ltmp2:
0x1b: {  	_ = 	snop;
	(pc) =	sbr.rel @p0 .LBB2_11-.Ltmp2, $1  }
0x1c: {  	_ =	sdelay $0x3  }
0x1d: {  	p0 =	seq.s32 s29, $0x0  }
.Ltmp3:
0x1e: {  	_ = 	snop;
	(pc) =	sbr.rel @p0 .LBB2_3-.Ltmp3, $1  }
0x1f: {  	_ =	sdelay $0x3  }
0x20: {  	_ =	swait.ge [sflag:s5], $0xA00  }
0x21: {  	[sflag:s5] =	ssyncset.done $0x0  }
0x22: {  	[sflag:s5] =	ssyncadd.s32 $0xFFFFF600;
	(ifvalue) =	ssetifvalue $0xFFFFFFFF;
	v3 =	vld.msk [tilespmem:s15+$0x0 ss:$0x1], $0xffff;
	_ =	sdelay $0x4  }
0x23: {  	v4 =	vperm.xlane v3, v1  }
0x24: {  	vm4 =	vlt.u32 v3, $0xA000  }
0x25: {  	v3 =	vnsel vm4, $0xFFFFFFFE, v3;
	vm4 =	vlt.u32 v4, $0xA000  }
0x26: {  	[tilespmem:$0x70] =	vst v3;
	v3 =	vnsel vm4, $0xFFFFFFFE, v4  }
0x27: {  	s17 =	simm.s32 $0xAF0;
	[tilespmem:$0x80] =	vst v3  }
0x28: {  	v3 =	vld.msk [tilespmem:s17+$0x0 ss:$0x1], $0xffff;
	_ =	sdelay $0x4  }
0x29: {  	(xrf1) =	vunique.msk.u32 $0xffff, v3;
	_ =	sdelay $0xd  }
0x2a: {  	v4 =	vimm.s32 $0xFFFFFFFF;
	v5, _, _ =	vpop (xrf1)  }
0x2b: {  	vm5 =	vne.s32 v3, v4;
	vm4 =	veq.s32 v5, v2  }
0x2c: {  	vm6 =	vlt.u32 v3, $0xA000;
	vm4 =	vmand vm5, vm4  }
0x2d: {  	vm4 =	vmand vm6, vm4  }
0x2e: {  	v4 =	vnsel vm4, $0xFFFFFFFF, v3;
	_ =	sdelay $0x3  }
0x2f: {  	s0 =	simm.s32 $0x28F0;
	(ifvalue) =	ssetifvalue $0xFFFFFFFF  }
0x30: {  	v3 =	vperm.xlane v3, v1;
	[tilespmem:s0], [sflag:$0x8] =	stream.indirect_vreg.gather [hbm4b:s1+s14], $0x1, v4, vm0, $0x4038;
	v4 =	vnsel vm6, $0xFFFFFFFE, v4;
	[tilespmem:$0x5B20] =	vst v63  }
0x31: {  	s2 =	simm.s32 $0x0;
	s16 =	simm.s32 $0xAE0;
	[tilespmem:s17+$0x0] =	vst v4  }
.LBB2_6:
0x32: {  	v4 =	vld.msk [tilespmem:s16+$0x0 ss:$0x1], $0xffff;
	s2 =	sadd.s32 $0x10, s2;
	v5 =	vmov v3;
	s17 =	smov.u32 s16  }
0x33: {  	p0 =	slt.u32 s2, $0x9F0;
	_ =	sdelay $0x4  }
0x34: {  	v3 =	vperm.xlane v4, v1;
	(xrf1) =	vunique.msk.u32 $0xffff, v4;
	_ =	sdelay $0xd  }
0x35: {  	v6, _, _ =	vpop (xrf1)  }
0x36: {  	vm5 =	vne.s32 v4, v5;
	vm4 =	veq.s32 v6, v2  }
0x37: {  	vm6 =	vlt.u32 v4, $0xA000;
	vm4 =	vmand vm5, vm4  }
0x38: {  	vm4 =	vmand vm6, vm4  }
0x39: {  	v4 =	vnsel vm4, $0xFFFFFFFF, v4  }
.Ltmp4:
0x3a: {  	v5 =	vnsel vm6, $0xFFFFFFFE, v4;
	(pc) =	sbr.rel @p0 .LBB2_6-.Ltmp4, $3  }
0x3b: {  	_ =	sdelay $0x1  }
0x3c: {  	s16 =	sadd.s32 $0xFFFFFFF0, s16;
	s0 =	sadd.s32 $0xFFFFFFF0, s0;
	(ifvalue) =	ssetifvalue $0xFFFFFFFF  }
0x3d: {  	[tilespmem:s0], [sflag:$0x8] =	stream.indirect_vreg.gather [hbm4b:s1+s14], $0x1, v4, vm0, $0x4038;
	[tilespmem:s17+$0x0] =	vst v5  }
.Ltmp5:
0x3e: {  	(pc) =	sbr.rel .LBB2_4-.Ltmp5, $4  }
0x3f: {  	_ = 	snop  }
0x40: {  	s0 =	sshrl.u32 s30, $0x3  }
0x41: {  	s2 =	simm.s32 $0x3300;
	s0 =	sadd.s32 s8, s0  }
0x42: {  	[tilespmem:s2], [sflag:$0x8] =	stream.linear.gather [hbm:s0], $0xA00, $0x38;
	[tilespmem:$0x5B20] =	vst v63  }
.LBB2_11:
0x43: {  	p0 =	seq.s32 s29, $0x2  }
.Ltmp6:
0x44: {  	_ = 	snop;
	(pc) =	sbr.rel @!p0 .LBB2_12-.Ltmp6, $1  }
0x45: {  	_ =	sdelay $0x3  }
0x46: {  	_ =	swait.ge [sflag:s7], $0x1400  }
0x47: {  	[sflag:s7] =	ssyncset.done $0x0  }
0x48: {  	s0 =	simm.s32 $0xAFF;
	[sflag:s7] =	ssyncadd.s32 $0xFFFFEC00  }
0x49: {  	[spmem:s11] =	stream.linear.scatter [tilespmem:s0], [sflag:$0x1], $0x1, $0x38;
	[tilespmem:$0x5B20] =	vst v63  }
0x4a: {  	_ =	swait.ge [sflag:s4], $0x1  }
0x4b: {  	[sflag:s4] =	ssyncset.done $0x0  }
0x4c: {  	[sflag:s4] =	ssyncadd.s32 $0xFFFFFFFF  }
0x4d: {  	v4 =	vld [tilespmem:$0x10]  }
0x4e: {  	v5 =	vld [tilespmem:$0x70]  }
0x4f: {  	v3 =	vld [tilespmem:$0x80];
	_ =	sdelay $0x2  }
0x50: {  	(v2sf) =	vpush v4, $0x0  }
0x51: {  	(v2sf) =	vpush v5, $0x0  }
0x52: {  	(v2sf) =	vpush v3, $0x0;
	_ =	sdelay $0xc  }
0x53: {  	s16 =	spop (v2sf)  }
0x54: {  	s2 =	spop (v2sf)  }
0x55: {  	s30 =	spop (v2sf)  }
0x56: {  	p0 =	seq.s32 s16, s2;
	p1 =	seq.s32 s30, s16  }
0x57: {  	p1 =	por p0, p1  }
0x58: {  	v4 =	vpsel p1, $0xFFFFFFFF, v4  }
0x59: {  	[tilespmem:s18+$0x0] =	vst.msk $0x1, v4  }
0x5a: {  	v4 =	vld [tilespmem:$0x30]  }
0x5b: {  	v5 =	vld [tilespmem:$0x3300]  }
0x5c: {  	v6 =	vld [tilespmem:$0x40];
	_ =	sdelay $0x3  }
0x5d: {  	vm4 =	vmmov vm1;
	v5 =	vadd.f32 v5, v4  }
0x5e: {  	vm5 =	vmmov vm2;
	s31 =	simm.s32 $0x3300;
	vm4 =	vmmov @p0 vm2;
	v4 =	vadd.f32 v6, v4  }
0x5f: {  	vm5 =	vmmov @p1 vm1;
	[tilespmem:s31+$0x0] =	vst.msk vm4, v5  }
0x60: {  	[tilespmem:s19+$0x0] =	vst.msk vm5, v4  }
0x61: {  	v4 =	vld [tilespmem:$0x28F0];
	_ =	sdelay $0x3  }
0x62: {  	v5 =	vimm.f32 $0.0e+00  }
0x63: {  	v4 =	vshift.insert v4, v5, s20;
	_ =	sdelay $0x1  }
0x64: {  	[tilespmem:s21+$0x0] =	vst.msk $0x1, v4  }
0x65: {  	[tilespmem:s22+$0x0] =	vst.msk $0x1, v5  }
0x66: {  	v4 =	vld [tilespmem:$0xAF0];
	_ =	sdelay $0x4  }
0x67: {  	v4 =	vshift.insert v4, v1, s20;
	_ =	sdelay $0x1  }
0x68: {  	[tilespmem:s23+$0x0] =	vst.msk $0x1, v4  }
0x69: {  	s17 =	simm.s32 $0x100;
	v6 =	vld [tilespmem:s31+$0x0]  }
0x6a: {  	v7 =	vld [tilespmem:s17+$0x0];
	_ =	sdelay $0x3  }
0x6b: {  	v5 =	vadd.f32 v6, v5  }
0x6c: {  	vm4 =	vne.s32 v7, $0xFFFFFFFF  }
0x6d: {  	(xrf2) =	vadd.seg.scan.f32 vm4, v5;
	_ =	sdelay $0x3  }
0x6e: {  	s0 =	simm.s32 $0x1F00;
	v5 =	vperm.xlane v4, v1  }
0x6f: {  	v6 =	vld [tilespmem:s0+$0x0]  }
0x70: {  	vm5 =	veq.s32 v7, v3;
	vm6 =	veq.s32 v7, v5  }
0x71: {  	vm7 =	vgt.u32 v7, $0xFFFFFFFD;
	vm6 =	vmor vm6, vm5  }
0x72: {  	vm6 =	vmor vm6, vm7  }
0x73: {  	v9 =	vld [tilespmem:$0xA0];
	v7 =	vsel vm6, $0xFFFFFFFF, v7  }
0x74: {  	v10 =	vld [tilespmem:$0x90];
	v6 =	vsel vm5, $0x0, v6;
	v8, _, _ =	vpop (xrf2)  }
0x75: {  	v6 =	vadd.f32 v8, v6  }
0x76: {  	s2 =	simm.s32 $0x4700  }
0x77: {  	vm4 =	vmand vm4, vm3;
	[tilespmem:s2+$0x0] =	vst v6;
	(ifvalue) =	ssetifvalue $0xFFFFFFFF  }
0x78: {  	vm6 =	veq.s32 v9, $0x1;
	[hbm4b:s1+s14] =	stream.indirect_vreg.scatter [tilespmem:s2], [sflag:$0x2], $0x1, v7, vm0, $0x4038;
	v7 =	vsel vm4, $0x0, v8;
	[tilespmem:$0x5B20] =	vst v63  }
0x79: {  	s16 =	simm.s32 $0x0;
	s17 =	simm.s32 $0x110;
	vm4 =	vmor vm6, vm5;
	v6 =	vsel vm5, v8, v10;
	v7 =	vshift.insert v7, v0, s20  }
.LBB2_9:
0x7a: {  	v8 =	vld [tilespmem:s17+$0x0];
	s31 =	sadd.s32 $0x10, s31  }
0x7b: {  	s0 =	sadd.s32 $0x10, s0;
	v9 =	vld [tilespmem:s31+$0x0]  }
0x7c: {  	s16 =	sadd.s32 $0x10, s16;
	v10 =	vld [tilespmem:s0+$0x0]  }
0x7d: {  	p0 =	slt.u32 s16, $0x9F0;
	_ =	sdelay $0x2  }
0x7e: {  	v7 =	vadd.f32 v9, v7  }
0x7f: {  	vm5 =	vne.s32 v8, $0xFFFFFFFF  }
0x80: {  	vm6 =	vmand vm5, vm3;
	(xrf2) =	vadd.seg.scan.f32 vm5, v7;
	_ =	sdelay $0x5  }
0x81: {  	vm7 =	veq.s32 v8, v5;
	vm5 =	veq.s32 v8, v3  }
0x82: {  	vm8 =	vgt.u32 v8, $0xFFFFFFFD;
	vm4 =	vmor vm4, vm5;
	vm7 =	vmor vm7, vm5  }
0x83: {  	vm7 =	vmor vm7, vm8  }
0x84: {  	v8 =	vsel vm7, $0xFFFFFFFF, v8  }
.Ltmp7:
0x85: {  	v7 =	vsel vm5, $0x0, v10;
	v9, _, _ =	vpop (xrf2);
	(pc) =	sbr.rel @p0 .LBB2_9-.Ltmp7, $4  }
0x86: {  	v6 =	vsel vm5, v9, v6;
	v10 =	vadd.f32 v9, v7;
	v7 =	vsel vm6, $0x0, v9  }
0x87: {  	s2 =	sadd.s32 $0x10, s2;
	v7 =	vshift.insert v7, v0, s20  }
0x88: {  	s17 =	sadd.s32 $0x10, s17;
	[tilespmem:s2+$0x0] =	vst v10;
	(ifvalue) =	ssetifvalue $0xFFFFFFFF  }
0x89: {  	[hbm4b:s1+s14] =	stream.indirect_vreg.scatter [tilespmem:s2], [sflag:$0x2], $0x1, v8, vm0, $0x4038;
	[tilespmem:$0x5B20] =	vst v63  }
0x8a: {  	v3 =	vld [tilespmem:$0x50F0];
	_ =	sdelay $0x4  }
0x8b: {  	v3 =	vshift.insert v3, v0, s20;
	_ =	sdelay $0x1  }
0x8c: {  	[tilespmem:s24+$0x0] =	vst.msk $0x1, v3  }
0x8d: {  	v3 =	vsel vm4, $0x1, v1;
	[tilespmem:$0x90] =	vst v6  }
0x8e: {  	[tilespmem:$0xA0] =	vst v3  }
0x8f: {  	[spmem:s12] =	stream.linear.scatter [tilespmem:s25], [sflag:$0x1], $0x1, $0x38;
	[tilespmem:$0x5B20] =	vst v63  }
0x90: {  	v3 =	vmctz.xlane vm4;
	_ =	swait.ge [sflag:s4], $0x1  }
0x91: {  	(v2sf) =	vpush v4, $0x0  }
0x92: {  	(v2sf) =	vpush v3, $0x0;
	_ =	sdelay $0xd  }
0x93: {  	s0 =	spop (v2sf)  }
0x94: {  	s2 =	spop (v2sf)  }
0x95: {  	[sflag:s4] =	ssyncset.done $0x0;
	p0 =	sne.s32 s30, s0;
	p1 =	slt.s32 s2, $0xF  }
0x96: {  	[sflag:s4] =	ssyncadd.s32 $0xFFFFFFFF;
	v3 =	vimm.s32 @!p0 $0xFFFFFFFF;
	s2 =	simm.s32 @!p1 $0xF  }
0x97: {  	[tilespmem:$0x80] =	vst @!p0 v3;
	s31 =	sadd.s32 $0x90, s2  }
0x98: {  	[spmem:s10] =	stream.linear.scatter [tilespmem:s31], [sflag:$0x1], $0x1, $0x38;
	[tilespmem:$0x5B20] =	vst v63  }
0x99: {  	_ =	swait.ge [sflag:s4], $0x1  }
0x9a: {  	[sflag:s4] =	ssyncset.done $0x0  }
0x9b: {  	[sflag:s4] =	ssyncadd.s32 $0xFFFFFFFF  }
0x9c: {  	[spmem:s13] =	stream.linear.scatter [tilespmem:s26], [sflag:$0x1], $0x1, $0x38;
	[tilespmem:$0x5B20] =	vst v63  }
0x9d: {  	_ =	swait.ge [sflag:s4], $0x1  }
0x9e: {  	[sflag:s4] =	ssyncset.done $0x0  }
0x9f: {  	[sflag:s4] =	ssyncadd.s32 $0xFFFFFFFF;
	(ifvalue) =	ssetifvalue $0xFFFFFFFF;
	v3 =	vld [tilespmem:$0x10];
	_ =	sdelay $0x3  }
.Ltmp8:
0xa0: {  	_ = 	snop;
	(pc) =	sbr.rel .LBB2_4-.Ltmp8, $3  }
0xa1: {  	_ =	sdelay $0x1  }
0xa2: {  	(ifvalue) =	ssetifvalue $0xFFFFFFFF  }
0xa3: {  	[hbm4b:s1+s14] =	stream.indirect_vreg.scatter [tilespmem:s19], [sflag:$0x9], $0x1, v3, vm0, $0x4038;
	[tilespmem:$0x5B20] =	vst v63  }
.LBB2_12:
0xa4: {  	s0 =	simm.s32 $0x2  }
0xa5: {  	_ =	swait.ge [sflag:s0], $0xA00  }
0xa6: {  	[sflag:s0] =	ssyncset.done $0x0  }
0xa7: {  	s31 =	simm.s32 $0x9;
	[sflag:s0] =	ssyncadd.s32 $0xFFFFF600  }
0xa8: {  	_ =	swait.ge [sflag:s31], $0x10  }
0xa9: {  	[sflag:s31] =	ssyncset.done $0x0  }
0xaa: {  	[sflag:s31] =	ssyncadd.s32 $0xFFFFFFF0  }
.LBB2_13:
0xab: {  	_ =	sfence.sel $0x180000  }
0xac: {  	s0 =	simm.s32 $0x7;
	[bflag:$0x0] =	sbarrier.arrive $0xFFFF  }
0xad: {  	s26 =	simm.s32 $0x8;
	[sflag:s0] =	ssyncpa.u1 $0x1  }
0xae: {  	s28 =	simm.s32 $0x9;
	[sflag:s26] =	ssyncpa.u1 $0x1  }
0xaf: {  	[sflag:s28] =	ssyncpa.u1 $0x1  }
0xb0: {  	_ =	sfence.stream.spmem  }
0xb1: {  	s29 =	simm.s32 $0x3;
	[bflag:$0x0] =	sbarrier.arrive $0xFFFF  }
0xb2: {  	s30 =	simm.s32 $0x4;
	[sflag:s29] =	ssyncpa.u1 $0x1  }
0xb3: {  	s31 =	simm.s32 $0x3C;
	s2 =	stileid.u32;
	[sflag:s30] =	ssyncpa.u1 $0x1  }
0xb4: {  	p0 =	sne.s32 s2, $0x0;
	[sflag:s31] =	ssyncpa.u1 $0x1  }
0xb5: {  	s0 =	simm.s32 @p0 $0x1;
	_ =	sfence @p0  }
0xb6: {  	[sflag:s0] =	ssyncpa.u1 @p0 $0x1;
	s0 =	simm.s32 @p0 $0x2  }
0xb7: {  	[sflag:s0] =	ssyncpa.u1 @p0 $0x1  }
0xb8: {  	_ =	strace @p0 $0x90000053  }
0xb9: {  	[bflag:$0x2] =	sbarrier.arrive @p0 $0xFFFF  }
0xba: {  	_ =	shalt @p0  }
.LBB2_14:
0xbb: {  	_ =	sfence.stream.spmem;
	s0 =	simm.s32 $0x5  }
0xbc: {  	s2 =	simm.s32 $0x80;
	s3 =	simm.s32 $0xC0;
	[sflag:s0] =	ssyncpa.u1 $0x0  }
0xbd: {  	[tilespmem:s3], [sflag:$0x5] =	stream.linear.gather [spmem:s2], $0x20, $0x38;
	[tilespmem:$0x5B20] =	vst v63  }
0xbe: {  	s2 =	simm.s32 $0x0;
	s3 =	simm.s32 $0xE0  }
0xbf: {  	[tilespmem:s3], [sflag:$0x5] =	stream.linear.gather [spmem:s2], $0x20, $0x38;
	[tilespmem:$0x5B20] =	vst v63  }
.Ltmp9:
0xc0: {  	_ = 	snop;
	(pc) =	sbr.rel .LBB2_15-.Ltmp9, $4  }
0xc1: {  	_ =	swait.ge [sflag:s0], $0x40  }
0xc2: {  	[sflag:s0] =	ssyncset.done $0x0  }
0xc3: {  	s31 =	simm.s32 $0x6;
	[sflag:s0] =	ssyncadd.s32 $0xFFFFFFC0  }
0xc4: {  	s4 =	simm.s32 $0x0;
	[sflag:s31] =	ssyncpa.u1 $0x0  }
.LBB2_20:
0xc5: {  	p0 =	sgt.u32 s0, $0x9FFF  }
0xc6: {  	s5 =	sshrl.u32 @!p0 s0, $0x3  }
0xc7: {  	s0 =	sand.u32 @!p0 $0x7, s0;
	s6 =	simm.s32 @!p0 $0xB0;
	s5 =	sadd.s32 @!p0 s1, s5  }
0xc8: {  	[tilespmem:s6], [sflag:$0x6] =	stream.linear.gather @!p0 [hbm4b:s5+s0], $0x1, $0x38;
	[tilespmem:$0x5B20] =	vst v63  }
0xc9: {  	s0 =	simm.s32 @!p0 $0x6  }
0xca: {  	_ =	swait.ge @!p0 [sflag:s0], $0x1  }
0xcb: {  	[sflag:s0] =	ssyncset.done @!p0 $0x0  }
0xcc: {  	[sflag:s0] =	ssyncadd.s32 @!p0 $0xFFFFFFFF  }
0xcd: {  	v2 =	vmov @!p0 s4;
	v1 =	vld.msk @!p0 [tilespmem:$0xB0], $0x1;
	_ =	sdelay $0x3  }
0xce: {  	s0 =	simm.s32 @!p0 $0xE0  }
0xcf: {  	[tilespmem:v2+s0+$0x0], v1 =	vst.idx.ret.add.f32.msk @!p0 $0x1, v1  }
0xd0: {  	[tilespmem:s2+$0xC0] =	vst.msk $0x1, v0  }
0xd1: {  	v0 =	vld.msk [tilespmem:s4+$0xE0], $0x1;
	_ =	sdelay $0x4  }
0xd2: {  	[tilespmem:s2+$0xE0] =	vst.msk $0x1, v0;
	s2 =	sadd.s32 $0x1, s2  }
.LBB2_22:
0xd3: {  	s4 =	sadd.s32 $0x1, s4  }
0xd4: {  	p0 =	sne.s32 s4, $0x20  }
.Ltmp10:
0xd5: {  	_ = 	snop;
	(pc) =	sbr.rel @!p0 .LBB2_23-.Ltmp10, $1  }
0xd6: {  	_ =	sdelay $0x3  }
.LBB2_15:
0xd7: {  	v0 =	vld.msk [tilespmem:s4+$0xC0], $0x1;
	_ =	sdelay $0x4  }
0xd8: {  	(v2sf) =	vpush v0, $0x0;
	_ =	sdelay $0xe  }
0xd9: {  	s0 =	spop (v2sf)  }
0xda: {  	p0 =	seq.s32 s0, $0xFFFFFFFF  }
.Ltmp11:
0xdb: {  	_ = 	snop;
	(pc) =	sbr.rel @p0 .LBB2_22-.Ltmp11, $1  }
0xdc: {  	_ =	sdelay $0x3  }
0xdd: {  	p0 =	slt.s32 s2, $0x1  }
.Ltmp12:
0xde: {  	_ = 	snop;
	(pc) =	sbr.rel @p0 .LBB2_20-.Ltmp12, $1  }
0xdf: {  	_ =	sdelay $0x3  }
0xe0: {  	s5 =	simm.s32 $0xC0;
	p0 =	por $0x0, $0x0  }
0xe1: {  	v1 =	vld.msk @!p0 [tilespmem:s5+$0x0], $0x1;
	_ =	sdelay $0x4  }
0xe2: {  	(v2sf) =	vpush @!p0 v1, $0x0;
	_ =	sdelay $0xd  }
0xe3: {  	p2 =	sne.s32 s2, $0x1  }
.Ltmp13:
0xe4: {  	s6 =	spop @!p0 (v2sf);
	(pc) =	sbr.rel @!p2 .LBB2_19-.Ltmp13, $4  }
0xe5: {  	p1 =	seq.s32 @!p0 s0, s6  }
0xe6: {  	s6 =	simm.s32 $0x0;
	p1 =	por !p1, p0  }
0xe7: {  	s8 =	simm.s32 $0xFFFFFFFF;
	s6 =	simm.s32 @p1 $0xFFFFFFFF  }
0xe8: {  	s7 =	simm.s32 $0x1;
	s6 =	smov.u32 @p0 s8  }
.LBB2_18:
0xe9: {  	s8 =	smov.u32 s6;
	p0 =	sne.s32 s6, $0xFFFFFFFF  }
0xea: {  	s5 =	sadd.s32 $0x1, s5;
	s6 =	smov.u32 s7;
	s7 =	sadd.s32 $0x1, s7  }
0xeb: {  	p1 =	sne.s32 s2, s7;
	v1 =	vld.msk @!p0 [tilespmem:s5+$0x0], $0x1;
	_ =	sdelay $0x4  }
0xec: {  	(v2sf) =	vpush @!p0 v1, $0x0;
	_ =	sdelay $0xe  }
.Ltmp14:
0xed: {  	s9 =	spop @!p0 (v2sf);
	(pc) =	sbr.rel @p1 .LBB2_18-.Ltmp14, $4  }
0xee: {  	p2 =	seq.s32 @!p0 s0, s9  }
0xef: {  	p2 =	por !p2, p0  }
0xf0: {  	s6 =	simm.s32 @p2 $0xFFFFFFFF  }
0xf1: {  	s6 =	smov.u32 @p0 s8  }
.LBB2_19:
0xf2: {  	p0 =	sne.s32 s6, $0xFFFFFFFF  }
.Ltmp15:
0xf3: {  	_ = 	snop;
	(pc) =	sbr.rel @!p0 .LBB2_20-.Ltmp15, $1  }
0xf4: {  	_ =	sdelay $0x3  }
0xf5: {  	v0 =	vld.msk [tilespmem:s4+$0xE0], $0x1;
	v1 =	vmov s6  }
.Ltmp16:
0xf6: {  	_ = 	snop;
	(pc) =	sbr.rel .LBB2_22-.Ltmp16, $2  }
0xf7: {  	_ =	sdelay $0x2  }
0xf8: {  	[tilespmem:v1+s3+$0x0], v0 =	vst.idx.ret.add.f32.msk $0x1, v0  }
.LBB2_23:
0xf9: {  	p0 =	slt.s32 s2, $0x1  }
.Ltmp17:
0xfa: {  	_ = 	snop;
	(pc) =	sbr.rel @p0 .LBB2_27-.Ltmp17, $3  }
0xfb: {  	_ =	sdelay $0x1  }
0xfc: {  	s0 =	simm.s32 $0x6  }
0xfd: {  	[sflag:s0] =	ssyncpa.u1 $0x1;
	s0 =	simm.s32 $0x0  }
0xfe: {  	s3 =	simm.s32 $0xC0  }
0xff: {  	v0 =	vld.msk [tilespmem:s3+$0x0], $0x1;
	_ =	sdelay $0x4  }
0x100: {  	(v2sf) =	vpush v0, $0x0;
	_ =	sdelay $0xe  }
0x101: {  	s2 =	sadd.s32 $0xFFFFFFFF, s2;
	s4 =	spop (v2sf)  }
0x102: {  	p1 =	sne.s32 s2, $0x0;
	p0 =	sgt.u32 s4, $0x9FFF  }
.Ltmp18:
0x103: {  	s5 =	sshrl.u32 @!p0 s4, $0x3;
	(pc) =	sbr.rel @!p1 .LBB2_26-.Ltmp18, $4  }
0x104: {  	s3 =	simm.s32 $0xE0;
	s4 =	sand.u32 @!p0 $0x7, s4;
	s5 =	sadd.s32 @!p0 s1, s5  }
0x105: {  	[hbm4b:s5+s4] =	stream.linear.scatter @!p0 [tilespmem:s3], [sflag:$0x5], $0x1, $0x38;
	[tilespmem:$0x5B20] =	vst v63  }
0x106: {  	s5 =	simm.s32 $0x0  }
0x107: {  	s4 =	simm.s32 $0xC1;
	s5 =	simm.s32 @!p0 $0x4  }
.LBB2_25:
0x108: {  	v0 =	vld.msk [tilespmem:s4+$0x0], $0x1;
	s2 =	sadd.s32 $0xFFFFFFFF, s2;
	s0 =	sadd.s32 s0, s5  }
0x109: {  	p0 =	sne.s32 s2, $0x0;
	_ =	sdelay $0x3  }
0x10a: {  	(v2sf) =	vpush v0, $0x0;
	_ =	sdelay $0xe  }
.Ltmp19:
0x10b: {  	s6 =	spop (v2sf);
	(pc) =	sbr.rel @p0 .LBB2_25-.Ltmp19, $4  }
0x10c: {  	s5 =	simm.s32 $0x0;
	p1 =	sgt.u32 s6, $0x9FFF  }
0x10d: {  	s3 =	sadd.s32 $0x1, s3;
	s5 =	simm.s32 @!p1 $0x4;
	s7 =	sshrl.u32 @!p1 s6, $0x3  }
0x10e: {  	s4 =	sadd.s32 $0x1, s4;
	s6 =	sand.u32 @!p1 $0x7, s6;
	s7 =	sadd.s32 @!p1 s1, s7  }
0x10f: {  	[hbm4b:s7+s6] =	stream.linear.scatter @!p1 [tilespmem:s3], [sflag:$0x5], $0x1, $0x38;
	[tilespmem:$0x5B20] =	vst v63  }
.LBB2_26:
0x110: {  	s0 =	sadd.s32 s0, s5  }
0x111: {  	s0 =	sshrl.u32 s0, $0x2  }
.LBB2_27:
0x112: {  	s1 =	simm.s32 $0x5  }
0x113: {  	_ =	swait.ge [sflag:s1], s0  }
0x114: {  	s28 =	ssub.s32 $0x0, s0;
	[sflag:s1] =	ssyncset.done $0x0  }
0x115: {  	[sflag:s1] =	ssyncadd.s32 s28  }
0x116: {  	[sflag:s1] =	ssyncpa.u1 $0x1  }
0x117: {  	s29 =	simm.s32 $0x1;
	_ =	sfence  }
0x118: {  	s30 =	simm.s32 $0x2;
	[sflag:s29] =	ssyncpa.u1 $0x1  }
0x119: {  	[sflag:s30] =	ssyncpa.u1 $0x1  }
0x11a: {  	_ =	strace $0x90000053  }
0x11b: {  	[bflag:$0x2] =	sbarrier.arrive $0xFFFF  }
0x11c: {  	s31 =	rddreg [dreg:$0x1]  }
0x11d: {  	s0 =	sadd.s32 $0x100000, s31  }
0x11e: {  	[sflag:s0] =	ssyncadd.tile.s32 $0x1;
	_ =	shalt  }
.Lfunc_end2:
_tile_overlayer_lowered:
.L_overlay_start_2:
0x11f: {  	(tag) =	ssettag $0x2  }
0x120: {  	s0 =	rddreg [dreg:$0x0];
	s2 =	stileid.u32  }
0x121: {  	s1 =	rddreg [dreg:$0x1];
	p0 =	sne.s32 s2, $0x0  }
0x122: {  	s3 =	rddreg [dreg:$0x2];
	[bflag:$0x3] =	sbarrier.arrive $0xFFFF;
	s2 =	simm.s32 @!p0 $0x1C01  }
0x123: {  	[timem:s3], [sflag:s2] =	dma.local @!p0 [hbm:s0], s1  }
0x124: {  	s0 =	simm.s32 @!p0 $0x1  }
0x125: {  	_ =	swait.ge @!p0 [sflag:s0], s1  }
0x126: {  	s1 =	ssub.s32 @!p0 $0x0, s1;
	[sflag:s0] =	ssyncset.done @!p0 $0x0  }
0x127: {  	[sflag:s0] =	ssyncadd.s32 @!p0 s1  }
0x128: {  	[bflag:$0x3] =	sbarrier.arrive $0xFFFF  }
0x129: {  	_ =	shalt  }

// kernel: scatter_offload_async_start
scs
__scs_entry_jumppad:
0x0: {  	(pc) =	sbr.rel $0x88, $3  }
0x1: {  	(tag) =	ssettag $0x0;
	lr =	simm.s32 $0x1  }
0x2: {  	[smem:$0x3F9B] =	sst lr;
	_ =	strace $0xD0000000  }
0x3: {  	_ = 	snop  }
0x4: {  	_ = 	snop  }
0x5: {  	_ = 	snop  }
0x6: {  	_ = 	snop  }
0x7: {  	_ = 	snop  }
__scs_overlays_trampoline_lowered:
0x8: {  	[smem:$0x3FAA] =	sst s0  }
0x9: {  	[smem:$0x3FAB] =	sst s1  }
0xa: {  	[smem:$0x3FAC] =	sst s2  }
0xb: {  	[smem:$0x3FAD] =	sst s3  }
0xc: {  	[smem:$0x3FAE] =	sst s4  }
0xd: {  	[smem:$0x3FAF] =	sst s5  }
0xe: {  	[smem:$0x3FB0] =	sst s6  }
0xf: {  	[smem:$0x3FB1] =	sst s7  }
0x10: {  	[smem:$0x3FB2] =	sst s8  }
0x11: {  	[smem:$0x3FB3] =	sst s9;
	s0 =	simm.s32 @!p0 $0x0  }
0x12: {  	s1 =	sld [smem:$0x3F99];
	s0 =	simm.s32 @p0 $0x1  }
0x13: {  	[smem:$0x3FB4] =	sst s0;
	s0 =	simm.s32 @!p1 $0x0  }
0x14: {  	s2 =	sld [smem:$0x3F98];
	s0 =	simm.s32 @p1 $0x1  }
0x15: {  	[smem:$0x3FB5] =	sst s0;
	s0 =	simm.s32 @!p2 $0x0  }
0x16: {  	s3 =	sld [smem:$0x3FDB];
	s0 =	simm.s32 @p2 $0x1  }
0x17: {  	s4 =	simm.s32 $0x1BF5;
	[smem:$0x3FB7] =	sst s0  }
0x18: {  	s0 =	sld [smem:$0x3F9A];
	_ =	swait.ge [sflag:s4], $0x0  }
0x19: {  	s7 =	sld [smem:$0x3F9B]  }
0x1a: {  	s8 =	sadd.s32 $0xFFFFE003, lr  }
0x1b: {  	s9 =	sadd.s32 $0xFFFFFEF7, lr;
	s5 =	simm.s32 $0xFFFFFFFF;
	p2 =	slt.u32 s8, $0xFFFFF086  }
0x1c: {  	p1 =	slt.u32 s9, $0xF7A;
	s5 =	simm.s32 @!p2 $0x0  }
0x1d: {  	s5 =	simm.s32 @p1 $0x1;
	p0 =	seq.s32 s7, s2  }
0x1e: {  	s7 =	smul.u32 @!p0 $0xF7A, s2;
	p2 =	seq.s32 @!p0 s5, $0x0  }
0x1f: {  	s9 =	smul.u32 $0xF7A, s1;
	s8 =	simm.s32 @!p0 $0x1BF5;
	p2 =	por !p2, p0  }
0x20: {  	[sflag:s8] =	ssyncset.s32 @!p0 $0xFFFFF086;
	s6 =	sadd.s32 @!p0 s3, s7;
	s7 =	simm.s32 @!p0 $0x108  }
0x21: {  	s3 =	sadd.s32 s3, s9;
	s6 =	sadd.s32 @!p0 $0x88, s6;
	s7 =	simm.s32 @p2 $0x1082  }
0x22: {  	[simem:s7], [sflag:s8] =	dma.local @!p0 [hbm:s6], $0xF7A  }
0x23: {  	s9 =	sor.u32 $0xD0000000, s2;
	s6 =	simm.s32 $0x108;
	_ =	swait.ge @!p0 [sflag:s8], $0x0  }
0x24: {  	s3 =	sadd.s32 $0x88, s3;
	s6 =	simm.s32 @!p1 $0x1082;
	[sflag:s4] =	ssyncset.s32 $0xFFFFF086  }
0x25: {  	[simem:s6], [sflag:s4] =	dma.local [hbm:s3], $0xF7A  }
0x26: {  	[smem:$0x3F9B] =	sst s1;
	(tag) =	ssettag s2;
	_ =	strace s9  }
0x27: {  	s1 =	sld [smem:$0x3FAB]  }
0x28: {  	s2 =	sld [smem:$0x3FAC]  }
0x29: {  	s4 =	sld [smem:$0x3FAE]  }
0x2a: {  	p0 =	seq.s32 s5, $0x0;
	s5 =	sld [smem:$0x3FAF]  }
0x2b: {  	s6 =	sld [smem:$0x3FB0]  }
0x2c: {  	s7 =	sld [smem:$0x3FB1]  }
0x2d: {  	s3 =	simm.s32 $0x108;
	s8 =	sld [smem:$0x3FB2]  }
0x2e: {  	s3 =	simm.s32 @!p0 $0x1082;
	s9 =	sld [smem:$0x3FB3]  }
0x2f: {  	lr =	sadd.s32 s0, s3;
	s0 =	sld [smem:$0x3FAA]  }
0x30: {  	s3 =	sld [smem:$0x3FAD]  }
0x31: {  	[smem:$0x3FB6] =	sst s10  }
0x32: {  	s10 =	sld [smem:$0x3FB4];
	_ =	sdelay $0x3  }
0x33: {  	p0 =	seq.s32 s10, $0x1;
	s10 =	sld [smem:$0x3FB6];
	_ =	sdelay $0x3  }
0x34: {  	[smem:$0x3FB6] =	sst s10  }
0x35: {  	s10 =	sld [smem:$0x3FB5];
	_ =	sdelay $0x3  }
0x36: {  	p1 =	seq.s32 s10, $0x1;
	s10 =	sld [smem:$0x3FB6];
	_ =	sdelay $0x3  }
0x37: {  	[smem:$0x3FB6] =	sst s10  }
0x38: {  	s10 =	sld [smem:$0x3FB7]  }
0x39: {  	_ = 	snop;
	(pc) =	sbr.ind lr, $3  }
0x3a: {  	_ = 	snop  }
0x3b: {  	_ = 	snop  }
0x3c: {  	p2 =	seq.s32 s10, $0x1;
	s10 =	sld [smem:$0x3FB6]  }
0x3d: {  	_ =	shalt  }
0x3e: {  	_ =	shalt  }
0x3f: {  	_ =	shalt  }
0x40: {  	_ =	shalt  }
0x41: {  	_ =	shalt  }
0x42: {  	_ =	shalt  }
0x43: {  	_ =	shalt  }
0x44: {  	_ =	shalt  }
0x45: {  	_ =	shalt  }
0x46: {  	_ =	shalt  }
0x47: {  	_ =	shalt  }
0x48: {  	_ =	shalt  }
0x49: {  	_ =	shalt  }
0x4a: {  	_ =	shalt  }
0x4b: {  	_ =	shalt  }
0x4c: {  	_ =	shalt  }
0x4d: {  	_ =	shalt  }
0x4e: {  	_ =	shalt  }
0x4f: {  	_ =	shalt  }
0x50: {  	_ =	shalt  }
0x51: {  	_ =	shalt  }
0x52: {  	_ =	shalt  }
0x53: {  	_ =	shalt  }
0x54: {  	_ =	shalt  }
0x55: {  	_ =	shalt  }
0x56: {  	_ =	shalt  }
0x57: {  	_ =	shalt  }
0x58: {  	_ =	shalt  }
0x59: {  	_ =	shalt  }
0x5a: {  	_ =	shalt  }
0x5b: {  	_ =	shalt  }
0x5c: {  	_ =	shalt  }
0x5d: {  	_ =	shalt  }
0x5e: {  	_ =	shalt  }
0x5f: {  	_ =	shalt  }
0x60: {  	_ =	shalt  }
0x61: {  	_ =	shalt  }
0x62: {  	_ =	shalt  }
0x63: {  	_ =	shalt  }
0x64: {  	_ =	shalt  }
0x65: {  	_ =	shalt  }
0x66: {  	_ =	shalt  }
0x67: {  	_ =	shalt  }
0x68: {  	_ =	shalt  }
0x69: {  	_ =	shalt  }
0x6a: {  	_ =	shalt  }
0x6b: {  	_ =	shalt  }
0x6c: {  	_ =	shalt  }
0x6d: {  	_ =	shalt  }
0x6e: {  	_ =	shalt  }
0x6f: {  	_ =	shalt  }
0x70: {  	_ =	shalt  }
0x71: {  	_ =	shalt  }
0x72: {  	_ =	shalt  }
0x73: {  	_ =	shalt  }
0x74: {  	_ =	shalt  }
0x75: {  	_ =	shalt  }
0x76: {  	_ =	shalt  }
0x77: {  	_ =	shalt  }
0x78: {  	_ =	shalt  }
0x79: {  	_ =	shalt  }
0x7a: {  	_ =	shalt  }
0x7b: {  	_ =	shalt  }
0x7c: {  	_ =	shalt  }
0x7d: {  	_ =	shalt  }
0x7e: {  	_ =	shalt  }
0x7f: {  	_ =	shalt  }
0x80: {  	_ =	shalt  }
0x81: {  	_ =	shalt  }
0x82: {  	_ =	shalt  }
0x83: {  	_ =	shalt  }
0x84: {  	_ =	shalt  }
0x85: {  	_ =	shalt  }
0x86: {  	_ =	shalt  }
0x87: {  	_ =	shalt  }
.Lfunc_end0:
.L_simem_size_0:
called_computation_lowered:
.L_overlay_start_0:
0x88: {  	s0 =	sld [smem:$0x3FD9]  }
0x89: {  	s1 =	sld [smem:$0x3FFE];
	_ =	sdelay $0x3  }
0x8a: {  	s0 =	sadd.s32 s1, s0  }
0x8b: {  	[smem:$0x3FC2] =	sst s0  }
0x8c: {  	_ = 	snop  }
0x8d: {  	(tm) =	ssettm $0x1  }
0x8e: {  	s14 =	sld [smem:$0x3FFB];
	_ =	sdelay $0x3  }
0x8f: {  	_ =	strace s14  }
0x90: {  	s0 =	sld [smem:$0x3FFC];
	_ =	sdelay $0x3  }
0x91: {  	_ =	strace s0  }
0x92: {  	s0 =	sld [smem:$0x3FFD];
	_ =	sdelay $0x3  }
0x93: {  	_ =	strace s0  }
0x94: {  	_ =	strace $0x8FFFFFFF  }
0x95: {  	s15 =	sld [smem:$0x3FDB];
	_ =	sdelay $0x1  }
0x96: {  	s16 =	simm.s32 $_scs_section_size  }
0x97: {  	s2 =	simm.s32 $_size__tile_overlayer_lowered;
	s3 =	simm.s32 $_tile_overlayer_lowered  }
0x98: {  	s4 =	simm.s32 $0x1BFF;
	s17 =	sshll.u32 s3, $0x1;
	s1 =	sadd.s32 s16, s15  }
0x99: {  	s18 =	simm.s32 $0x0;
	s2 =	sshll.u32 s2, $0x1;
	s3 =	sadd.s32 s17, s1  }
0x9a: {  	[timem:s18], [sflag:s4] =	dma.local [hbm:s3], s2  }
0x9b: {  	_ =	swait.ge [sflag:s4], s2  }
0x9c: {  	s2 =	ssub.s32 $0x0, s2;
	[sflag:s4] =	ssyncset.done $0x0  }
0x9d: {  	[sflag:s4] =	ssyncadd.s32 s2;
	_ =	sdelay $0x1  }
0x9e: {  	s19 =	simm.s32 $0x1B8B  }
0x9f: {  	_ =	swait.ge [sflag:s19], $0x1  }
0xa0: {  	[sflag:s19] =	ssyncset.done $0x0  }
0xa1: {  	s21 =	simm.s32 $0x1B8E;
	s20 =	sld [smem:$0x3FFE];
	[sflag:s19] =	ssyncadd.s32 $0xFFFFFFFF  }
0xa2: {  	s22 =	simm.s32 $execute0_lowered;
	[smem:$0x3FD2] =	sst s21  }
0xa3: {  	s3 =	sshll.u32 s22, $0x1;
	_ =	strace $0x80000046;
	[dreg:$0x1] =	wrdreg $0xFFFFFFFF  }
0xa4: {  	s23 =	simm.s32 $_size_execute0_lowered;
	s3 =	sadd.s32 s1, s3;
	[dreg:$0x0] =	wrdreg $0x0  }
0xa5: {  	s4 =	sshll.u32 s23, $0x1;
	[dreg:$0x2] =	wrdreg s3  }
0xa6: {  	[dreg:$0x3] =	wrdreg s4  }
0xa7: {  	[dreg:$0x4] =	wrdreg $0xC0  }
0xa8: {  	s24 =	simm.s32 $execute1_lowered;
	_ =	task [dreg:s18], $0x5FFFF  }
0xa9: {  	s3 =	sshll.u32 s24, $0x1;
	[dreg:$0x1] =	wrdreg $0xFFFFFFFF  }
0xaa: {  	s1 =	sadd.s32 s1, s3;
	[dreg:$0x0] =	wrdreg $0x60  }
0xab: {  	[dreg:$0x2] =	wrdreg s1  }
0xac: {  	[dreg:$0x3] =	wrdreg s20  }
0xad: {  	[dreg:$0x4] =	wrdreg $0x9  }
0xae: {  	_ =	task.clear_ibuf [dreg:s18], $0x5FFFF;
	_ =	strace $0x90000046  }
0xaf: {  	s25 =	simm.s32 $0x9;
	_ =	strace $0x80000048  }
0xb0: {  	_ =	swait.ge [sflag:s25], $0x1  }
0xb1: {  	[sflag:s25] =	ssyncadd.s32 $0xFFFFFFFF  }
0xb2: {  	_ =	strace $0x90000048  }
0xb3: {  	_ =	strace $0x80000049;
	[dreg:$0x1] =	wrdreg $0xFFFFFFFF  }
0xb4: {  	[dreg:$0x0] =	wrdreg $0x2030  }
0xb5: {  	[dreg:$0x2] =	wrdreg s20  }
0xb6: {  	[dreg:$0x3] =	wrdreg $0xA  }
0xb7: {  	_ =	task.clear_ibuf [dreg:s18], $0x4FFFF;
	_ =	strace $0x90000049  }
0xb8: {  	s26 =	simm.s32 $0xA;
	_ =	strace $0x8000004B  }
0xb9: {  	_ =	swait.ge [sflag:s26], $0x1  }
0xba: {  	[sflag:s26] =	ssyncadd.s32 $0xFFFFFFFF  }
0xbb: {  	_ =	strace $0x9000004B  }
0xbc: {  	_ =	sfence  }
0xbd: {  	s28 =	sld [smem:$0x0];
	_ =	sdelay $0x1  }
0xbe: {  	s29 =	srdreg.scid  }
0xbf: {  	s30 =	sshll.u32 s29, $0xD;
	s31 =	sshrl.u32 s29, $0x2  }
0xc0: {  	s2 =	sand.u32 $0x1, s29;
	s3 =	sand.u32 $0x4000, s30;
	s1 =	sadd.s32 s31, s28  }
0xc1: {  	s2 =	sor.u32 s3, s2;
	s1 =	sshll.u32 s1, $0x11  }
0xc2: {  	s1 =	sor.u32 s1, s2  }
0xc3: {  	s1 =	sadd.s32 $0x8F2B, s1  }
0xc4: {  	[sflag:s1] =	ssyncadd.remote.s32 $0x1  }
0xc5: {  	_ =	sfence.sel $0xFFFF  }
0xc6: {  	[dreg:$0x0] =	wrdreg $0xFFFFFFFF;
	(pc) =	sbr.abs _section_cstart, $3  }
0xc7: {  	[dreg:$0x1] =	wrdreg $0xFFFFFFFF  }
0xc8: {  	_ =	task.clear_ibuf [dreg:s18], $0x2FFFF;
	_ =	strace $0x9FFFFFFF  }
0xc9: {  	(tm) =	ssettm $0x7FFFFFFF  }
tec
execute0_lowered:
.L_overlay_start_1:
0x0: {  	(tag) =	ssettag $0x1  }
0x1: {  	s2 =	rddreg [dreg:$0x0]  }
0x2: {  	s4 =	rddreg [dreg:$0x1]  }
0x3: {  	s0 =	rddreg [dreg:$0x2];
	s5 =	stileid.u32;
	[bflag:$0x3] =	sbarrier.arrive $0xFFFF  }
0x4: {  	s1 =	simm.s32 $_size_execute1_lowered;
	s9 =	simm.s32 $0x1;
	s31 =	simm.s32 $0x2  }
0x5: {  	s10 =	simm.s32 $0x0;
	p0 =	sne.s32 s5, $0x0;
	s1 =	sshll.u32 s1, $0x1  }
0x6: {  	p1 =	seq.s32 s5, $0x0;
	s3 =	simm.s32 @!p0 $0x1C3F;
	s6 =	simm.s32 @!p0 $0x4060  }
0x7: {  	[timem:s6], [sflag:s3] =	dma.local @!p0 [hbm:s2], s1  }
0x8: {  	s9 =	simm.s32 @!p1 $0x0;
	s2 =	smul.u32 $0xA00, s5;
	s6 =	simm.s32 @!p0 $0xA000  }
0x9: {  	s3 =	simm.s32 $0x0;
	s5 =	simm.s32 $0x1;
	s6 =	simm.s32 @p0 $0x0  }
.Ltmp0:
0xa: {  	_ =	strace $0x80000047;
	s8 =	ssub.s32 $0xA000, s2;
	(pc) =	sbr.rel .LBB2_1-.Ltmp0, $4  }
0xb: {  	s30 =	sshrl.u32 s2, $0x3;
	p1 =	sne.s32 s8, s6;
	s6 =	simm.s32 $0x1  }
0xc: {  	[sflag:s5] =	ssyncpa.u1 $0x0;
	s7 =	sadd.s32 s30, s4;
	s6 =	simm.s32 @!p1 $0x0  }
0xd: {  	s4 =	sadd.s32 $0x7000, s4;
	[sflag:s31] =	ssyncpa.u1 $0x0;
	s6 =	sadd.s32 s9, s6  }
0xe: {  	s7 =	sadd.s32 $0x5C00, s7;
	s9 =	simm.s32 $0x0;
	s8 =	sadd.s32 $0x1, s6  }
.LBB2_4:
0xf: {  	[tilespmem:s11+$0xB0] =	vst v0  }
0x10: {  	[tilespmem:s11+$0xC0] =	vst v1  }
0x11: {  	[tilespmem:s11+$0xD0] =	vst v2  }
0x12: {  	[tilespmem:s11+$0xE0] =	vst v3;
	s10 =	sshrl.u32 s10, $0x3  }
0x13: {  	[tilespmem:s11+$0xFFFFFF00] =	vst v4;
	s10 =	sadd.s32 s4, s10  }
0x14: {  	[hbm4b:s10+s3] =	stream.linear.scatter [tilespmem:s12], [sflag:$0x2], $0xA00, $0x38;
	[tilespmem:$0x2800] =	vst v63  }
.LBB2_5:
0x15: {  	p2 =	sne.s32 s9, s8  }
.Ltmp1:
0x16: {  	p1 =	slt.u32 s9, $0x2;
	(pc) =	sbr.rel @!p2 .LBB2_6-.Ltmp1, $4  }
0x17: {  	s10 =	simm.s32 @!p1 $0x2  }
0x18: {  	_ =	swait.ge @!p1 [sflag:s10], $0xA00  }
0x19: {  	s11 =	sadd.s32 $0x1, s9;
	[sflag:s10] =	ssyncset.done @!p1 $0x0  }
0x1a: {  	s9 =	smov.u32 s11;
	[sflag:s10] =	ssyncadd.s32 @!p1 $0xFFFFF600;
	s10 =	smov.u32 s2  }
.LBB2_1:
0x1b: {  	p1 =	sge.u32 s9, s6  }
0x1c: {  	s11 =	sxor.u32 @!p1 $0x1, s9  }
0x1d: {  	s11 =	smul.u32 @!p1 $0x2800, s11;
	_ =	sdelay $0x1  }
0x1e: {  	s31 =	sadd.s32 $0xFFFFFFFF, s9;
	s12 =	simm.s32 @!p1 $0x0;
	s11 =	sshra.s32 @!p1 s11, $0x2  }
0x1f: {  	[tilespmem:s11], [sflag:$0x1] =	stream.linear.gather @!p1 [hbm4b:s7+s12], $0xA00, $0x38;
	[tilespmem:$0x2800] =	vst v63  }
0x20: {  	p1 =	sge.u32 s31, s6  }
.Ltmp2:
0x21: {  	_ = 	snop;
	(pc) =	sbr.rel @p1 .LBB2_5-.Ltmp2, $1  }
0x22: {  	_ =	sdelay $0x3  }
0x23: {  	s11 =	sand.u32 $0x1, s9  }
0x24: {  	_ =	swait.ge [sflag:s5], $0xA00;
	s12 =	simm.s32 $0xA00;
	p1 =	seq.s32 s11, $0x1  }
0x25: {  	[sflag:s5] =	ssyncset.done $0x0;
	s12 =	simm.s32 @!p1 $0x0  }
0x26: {  	[sflag:s5] =	ssyncadd.s32 $0xFFFFF600;
	s14 =	sor.u32 $0x100, s12  }
0x27: {  	v0 =	vld [tilespmem:s14+$0xF0]  }
0x28: {  	v1 =	vld [tilespmem:s14+$0xFFFFFF10]  }
0x29: {  	v2 =	vld [tilespmem:s14+$0xFFFFFF20]  }
0x2a: {  	v3 =	vld [tilespmem:s14+$0xFFFFFF30]  }
0x2b: {  	s11 =	sor.u32 $0x1500, s12;
	v4 =	vld [tilespmem:s14+$0xFFFFFF40]  }
0x2c: {  	v5 =	vld [tilespmem:s14+$0xFFFFFF50];
	[tilespmem:s11+$0xF0] =	vst v0  }
0x2d: {  	[tilespmem:s11+$0xFFFFFF10] =	vst v1;
	v0 =	vld [tilespmem:s14+$0xFFFFFF60]  }
0x2e: {  	[tilespmem:s11+$0xFFFFFF20] =	vst v2;
	v1 =	vld [tilespmem:s14+$0xFFFFFF70]  }
0x2f: {  	[tilespmem:s11+$0xFFFFFF30] =	vst v3;
	v2 =	vld [tilespmem:s14+$0xFFFFFF80]  }
0x30: {  	[tilespmem:s11+$0xFFFFFF40] =	vst v4;
	v3 =	vld [tilespmem:s14+$0xFFFFFF90]  }
0x31: {  	[tilespmem:s11+$0xFFFFFF50] =	vst v5;
	v4 =	vld [tilespmem:s14+$0xFFFFFFA0]  }
0x32: {  	v5 =	vld [tilespmem:s14+$0xA0];
	[tilespmem:s11+$0xFFFFFF60] =	vst v0  }
0x33: {  	v0 =	vld [tilespmem:s14+$0xFFFFFFB0];
	[tilespmem:s11+$0xFFFFFF70] =	vst v1  }
0x34: {  	v1 =	vld [tilespmem:s14+$0xFFFFFFC0];
	[tilespmem:s11+$0xFFFFFF80] =	vst v2  }
0x35: {  	v2 =	vld [tilespmem:s14+$0xFFFFFFD0];
	[tilespmem:s11+$0xFFFFFF90] =	vst v3  }
0x36: {  	v3 =	vld [tilespmem:s14+$0xFFFFFFE0];
	[tilespmem:s11+$0xFFFFFFA0] =	vst v4  }
0x37: {  	v4 =	vld [tilespmem:s14+$0xFFFFFFF0];
	[tilespmem:s11+$0xA0] =	vst v5  }
0x38: {  	[tilespmem:s11+$0xFFFFFFB0] =	vst v0;
	v0 =	vld [tilespmem:s14+$0x0]  }
0x39: {  	[tilespmem:s11+$0xFFFFFFC0] =	vst v1;
	v1 =	vld [tilespmem:s14+$0x10]  }
0x3a: {  	[tilespmem:s11+$0xFFFFFFD0] =	vst v2;
	v2 =	vld [tilespmem:s14+$0x20]  }
0x3b: {  	[tilespmem:s11+$0xFFFFFFE0] =	vst v3;
	v3 =	vld [tilespmem:s14+$0x30]  }
0x3c: {  	[tilespmem:s11+$0xFFFFFFF0] =	vst v4;
	v4 =	vld [tilespmem:s14+$0x40]  }
0x3d: {  	[tilespmem:s11+$0x0] =	vst v0;
	v0 =	vld [tilespmem:s14+$0x50]  }
0x3e: {  	[tilespmem:s11+$0x10] =	vst v1;
	v1 =	vld [tilespmem:s14+$0x60]  }
0x3f: {  	[tilespmem:s11+$0x20] =	vst v2;
	v2 =	vld [tilespmem:s14+$0x70]  }
0x40: {  	[tilespmem:s11+$0x30] =	vst v3;
	v3 =	vld [tilespmem:s14+$0x80]  }
0x41: {  	[tilespmem:s11+$0x40] =	vst v4;
	v4 =	vld [tilespmem:s14+$0x90]  }
0x42: {  	[tilespmem:s11+$0x50] =	vst v0;
	v0 =	vld [tilespmem:s14+$0xB0]  }
0x43: {  	[tilespmem:s11+$0x60] =	vst v1;
	v1 =	vld [tilespmem:s14+$0xC0]  }
0x44: {  	[tilespmem:s11+$0x70] =	vst v2;
	v2 =	vld [tilespmem:s14+$0xD0]  }
0x45: {  	[tilespmem:s11+$0x80] =	vst v3;
	v3 =	vld [tilespmem:s14+$0xE0]  }
0x46: {  	s13 =	simm.s32 $0x0;
	s12 =	sor.u32 $0x1400, s12;
	[tilespmem:s11+$0x90] =	vst v4;
	v4 =	vld [tilespmem:s14+$0xFFFFFF00];
	s14 =	sadd.s32 $0x200, s14  }
.LBB2_3:
0x47: {  	v5 =	vld [tilespmem:s14+$0xF0];
	s13 =	sadd.s32 $0x200, s13;
	[tilespmem:s11+$0xB0] =	vst v0  }
0x48: {  	v0 =	vld [tilespmem:s14+$0xFFFFFF10];
	p1 =	slt.u32 s13, $0x800;
	[tilespmem:s11+$0xC0] =	vst v1  }
0x49: {  	v1 =	vld [tilespmem:s14+$0xFFFFFF20];
	[tilespmem:s11+$0xD0] =	vst v2  }
0x4a: {  	v2 =	vld [tilespmem:s14+$0xFFFFFF30];
	[tilespmem:s11+$0xE0] =	vst v3  }
0x4b: {  	v3 =	vld [tilespmem:s14+$0xFFFFFF40];
	[tilespmem:s11+$0xFFFFFF00] =	vst v4;
	s11 =	sadd.s32 $0x200, s11  }
0x4c: {  	v4 =	vld [tilespmem:s14+$0xFFFFFF50];
	[tilespmem:s11+$0xF0] =	vst v5  }
0x4d: {  	[tilespmem:s11+$0xFFFFFF10] =	vst v0;
	v0 =	vld [tilespmem:s14+$0xFFFFFF60]  }
0x4e: {  	[tilespmem:s11+$0xFFFFFF20] =	vst v1;
	v1 =	vld [tilespmem:s14+$0xFFFFFF70]  }
0x4f: {  	[tilespmem:s11+$0xFFFFFF30] =	vst v2;
	v2 =	vld [tilespmem:s14+$0xFFFFFF80]  }
0x50: {  	[tilespmem:s11+$0xFFFFFF40] =	vst v3;
	v3 =	vld [tilespmem:s14+$0xFFFFFF90]  }
0x51: {  	[tilespmem:s11+$0xFFFFFF50] =	vst v4;
	v4 =	vld [tilespmem:s14+$0xFFFFFFA0]  }
0x52: {  	[tilespmem:s11+$0xFFFFFF60] =	vst v0;
	v0 =	vld [tilespmem:s14+$0xFFFFFFB0]  }
0x53: {  	[tilespmem:s11+$0xFFFFFF70] =	vst v1;
	v1 =	vld [tilespmem:s14+$0xFFFFFFC0]  }
0x54: {  	[tilespmem:s11+$0xFFFFFF80] =	vst v2;
	v2 =	vld [tilespmem:s14+$0xFFFFFFD0]  }
0x55: {  	[tilespmem:s11+$0xFFFFFF90] =	vst v3;
	v3 =	vld [tilespmem:s14+$0xFFFFFFE0]  }
0x56: {  	[tilespmem:s11+$0xFFFFFFA0] =	vst v4;
	v4 =	vld [tilespmem:s14+$0xFFFFFFF0]  }
0x57: {  	[tilespmem:s11+$0xFFFFFFB0] =	vst v0;
	v0 =	vld [tilespmem:s14+$0x0]  }
0x58: {  	[tilespmem:s11+$0xFFFFFFC0] =	vst v1;
	v1 =	vld [tilespmem:s14+$0x10]  }
0x59: {  	[tilespmem:s11+$0xFFFFFFD0] =	vst v2;
	v2 =	vld [tilespmem:s14+$0x20]  }
0x5a: {  	[tilespmem:s11+$0xFFFFFFE0] =	vst v3;
	v3 =	vld [tilespmem:s14+$0x30]  }
0x5b: {  	[tilespmem:s11+$0xFFFFFFF0] =	vst v4;
	v4 =	vld [tilespmem:s14+$0x40]  }
0x5c: {  	[tilespmem:s11+$0x0] =	vst v0;
	v0 =	vld [tilespmem:s14+$0x50]  }
0x5d: {  	[tilespmem:s11+$0x10] =	vst v1;
	v1 =	vld [tilespmem:s14+$0x60]  }
0x5e: {  	[tilespmem:s11+$0x20] =	vst v2;
	v2 =	vld [tilespmem:s14+$0x70]  }
0x5f: {  	[tilespmem:s11+$0x30] =	vst v3;
	v3 =	vld [tilespmem:s14+$0x80]  }
0x60: {  	[tilespmem:s11+$0x40] =	vst v4;
	v4 =	vld [tilespmem:s14+$0x90]  }
0x61: {  	[tilespmem:s11+$0x50] =	vst v0;
	v5 =	vld [tilespmem:s14+$0xA0]  }
.Ltmp3:
0x62: {  	[tilespmem:s11+$0x60] =	vst v1;
	v0 =	vld [tilespmem:s14+$0xB0];
	(pc) =	sbr.rel @p1 .LBB2_3-.Ltmp3, $4  }
0x63: {  	[tilespmem:s11+$0x70] =	vst v2;
	v1 =	vld [tilespmem:s14+$0xC0]  }
0x64: {  	[tilespmem:s11+$0x80] =	vst v3;
	v2 =	vld [tilespmem:s14+$0xD0]  }
0x65: {  	[tilespmem:s11+$0x90] =	vst v4;
	v3 =	vld [tilespmem:s14+$0xE0]  }
0x66: {  	v4 =	vld [tilespmem:s14+$0xFFFFFF00];
	[tilespmem:s11+$0xA0] =	vst v5;
	s14 =	sadd.s32 $0x200, s14  }
.Ltmp4:
0x67: {  	_ = 	snop;
	(pc) =	sbr.rel .LBB2_4-.Ltmp4, $1  }
0x68: {  	_ =	sdelay $0x3  }
.LBB2_6:
0x69: {  	_ =	sfence.sel $0x180000  }
0x6a: {  	s2 =	simm.s32 $0x1;
	[bflag:$0x0] =	sbarrier.arrive $0xFFFF  }
0x6b: {  	s31 =	simm.s32 $0x2;
	[sflag:s2] =	ssyncpa.u1 $0x1  }
0x6c: {  	[sflag:s31] =	ssyncpa.u1 $0x1  }
0x6d: {  	_ =	strace $0x90000047  }
0x6e: {  	s0 =	sadd.s32 @!p0 $0x100000, s0;
	[bflag:$0x2] =	sbarrier.arrive $0xFFFF  }
0x6f: {  	[sflag:s0] =	ssyncadd.tile.s32 @!p0 $0x1;
	s0 =	simm.s32 @!p0 $0x3F  }
0x70: {  	_ =	swait.ge @!p0 [sflag:s0], s1  }
0x71: {  	s1 =	ssub.s32 @!p0 $0x0, s1;
	[sflag:s0] =	ssyncset.done @!p0 $0x0  }
0x72: {  	[sflag:s0] =	ssyncadd.s32 @!p0 s1  }
0x73: {  	[bflag:$0x3] =	sbarrier.arrive $0xFFFF  }
0x74: {  	_ =	shalt  }
.Lfunc_end2:
execute1_lowered:
.L_overlay_start_2:
0x75: {  	(tag) =	ssettag $0x2  }
0x76: {  	s0 =	rddreg [dreg:$0x0];
	_ =	strace $0x8000004A;
	s3 =	simm.s32 $0x1  }
0x77: {  	v1 =	vimm.s32 $0xFFFFFFFF;
	[sflag:s3] =	ssyncpa.u1 $0x0  }
0x78: {  	[tilespmem:$0x10] =	vst v1  }
0x79: {  	v0 =	vimm.f32 $0.0e+00;
	[tilespmem:$0x20] =	vst v1  }
0x7a: {  	[tilespmem:$0x30] =	vst v0  }
0x7b: {  	s2 =	simm.s32 $0x2;
	s26 =	stileid.u32;
	s5 =	simm.s32 $0x7;
	[tilespmem:$0x40] =	vst v0  }
0x7c: {  	s7 =	simm.s32 $0x8;
	s31 =	simm.s32 $0x9;
	s14 =	simm.s32 $0x0;
	[tilespmem:$0x50] =	vst v0  }
0x7d: {  	s15 =	simm.s32 $0x100;
	s18 =	simm.s32 $0x10;
	s19 =	simm.s32 $0x5B00;
	[tilespmem:$0x60] =	vst v1  }
0x7e: {  	s20 =	simm.s32 $0xF;
	s21 =	simm.s32 $0x50;
	s22 =	simm.s32 $0x28FF;
	[tilespmem:$0x70] =	vst v1  }
0x7f: {  	s23 =	simm.s32 $0x20;
	s24 =	simm.s32 $0x30;
	s25 =	simm.s32 $0x50FF;
	[tilespmem:$0x80] =	vst v1  }
0x80: {  	s30 =	simm.s32 $0x0;
	s29 =	simm.s32 $0x0;
	s6 =	smul.u32 $0xA00, s26;
	v1 =	vimm.s32 $0x0;
	[tilespmem:$0xB0] =	vst v0  }
.Ltmp5:
0x81: {  	s1 =	sadd.s32 $0x7000, s0;
	s4 =	sadd.s32 $0x3400, s0;
	[tilespmem:$0x90] =	vst v1;
	(pc) =	sbr.rel .LBB3_1-.Ltmp5, $4  }
0x82: {  	s8 =	sadd.s32 $0x4800, s0;
	s10 =	sshll.u32 s26, $0x1;
	[tilespmem:$0xA0] =	vst v1;
	[sflag:s2] =	ssyncpa.u1 $0x0  }
0x83: {  	s12 =	sshllo.u32 s26, $0x1;
	s26 =	simm.s32 $0x80;
	[sflag:s5] =	ssyncpa.u1 $0x0  }
0x84: {  	vm0 =	vmmov $0xffff;
	v2 =	vlaneseq.u32;
	s11 =	sor.u32 $0x81, s10;
	s13 =	sor.u32 $0x80, s10;
	[sflag:s7] =	ssyncpa.u1 $0x0  }
0x85: {  	vm1 =	vmxor vm1, vm1;
	vm2 =	vmmov $0x1;
	vm3 =	vcmask $0x3F3C;
	s9 =	sadd.s32 $0xA00, s6;
	s28 =	smov.u32 s6;
	[sflag:s31] =	ssyncpa.u1 $0x0  }
.LBB3_3:
0x86: {  	s0 =	sshrl.u32 s28, $0x3  }
0x87: {  	s2 =	sand.u32 $0x7, s28;
	s0 =	sadd.s32 s4, s0  }
0x88: {  	[tilespmem:s15], [sflag:$0x7] =	stream.linear.gather [hbm4b:s0+s2], $0xA00, $0x38;
	[tilespmem:$0x5B20] =	vst v63  }
.LBB3_4:
0x89: {  	s0 =	sadd.s32 $0xA00, s28  }
0x8a: {  	s2 =	smov.u32 s6;
	s29 =	sadd.s32 $0x1, s29;
	p0 =	slt.s32 s0, s9  }
0x8b: {  	s2 =	smov.u32 @p0 s0;
	p0 =	sne.s32 s29, $0x4  }
.Ltmp6:
0x8c: {  	_ = 	snop;
	(pc) =	sbr.rel @!p0 .LBB3_13-.Ltmp6, $2  }
0x8d: {  	_ =	sdelay $0x2  }
0x8e: {  	s30 =	smov.u32 s28;
	s28 =	smov.u32 s2  }
.LBB3_1:
0x8f: {  	p0 =	sgt.s32 s29, $0x1  }
.Ltmp7:
0x90: {  	_ = 	snop;
	(pc) =	sbr.rel @p0 .LBB3_11-.Ltmp7, $1  }
0x91: {  	_ =	sdelay $0x3  }
0x92: {  	p0 =	seq.s32 s29, $0x0  }
.Ltmp8:
0x93: {  	_ = 	snop;
	(pc) =	sbr.rel @p0 .LBB3_3-.Ltmp8, $1  }
0x94: {  	_ =	sdelay $0x3  }
0x95: {  	_ =	swait.ge [sflag:s5], $0xA00  }
0x96: {  	[sflag:s5] =	ssyncset.done $0x0  }
0x97: {  	[sflag:s5] =	ssyncadd.s32 $0xFFFFF600;
	(ifvalue) =	ssetifvalue $0xFFFFFFFF;
	v3 =	vld.msk [tilespmem:s15+$0x0 ss:$0x1], $0xffff;
	_ =	sdelay $0x4  }
0x98: {  	v4 =	vperm.xlane v3, v1  }
0x99: {  	vm4 =	vlt.u32 v3, $0xA000  }
0x9a: {  	v3 =	vnsel vm4, $0xFFFFFFFE, v3;
	vm4 =	vlt.u32 v4, $0xA000  }
0x9b: {  	[tilespmem:$0x70] =	vst v3;
	v3 =	vnsel vm4, $0xFFFFFFFE, v4  }
0x9c: {  	s17 =	simm.s32 $0xAF0;
	[tilespmem:$0x80] =	vst v3  }
0x9d: {  	v3 =	vld.msk [tilespmem:s17+$0x0 ss:$0x1], $0xffff;
	_ =	sdelay $0x4  }
0x9e: {  	(xrf1) =	vunique.msk.u32 $0xffff, v3;
	_ =	sdelay $0xd  }
0x9f: {  	v4 =	vimm.s32 $0xFFFFFFFF;
	v5, _, _ =	vpop (xrf1)  }
0xa0: {  	vm5 =	vne.s32 v3, v4;
	vm4 =	veq.s32 v5, v2  }
0xa1: {  	vm6 =	vlt.u32 v3, $0xA000;
	vm4 =	vmand vm5, vm4  }
0xa2: {  	vm4 =	vmand vm6, vm4  }
0xa3: {  	v4 =	vnsel vm4, $0xFFFFFFFF, v3;
	_ =	sdelay $0x3  }
0xa4: {  	s0 =	simm.s32 $0x28F0;
	(ifvalue) =	ssetifvalue $0xFFFFFFFF  }
0xa5: {  	v3 =	vperm.xlane v3, v1;
	[tilespmem:s0], [sflag:$0x8] =	stream.indirect_vreg.gather [hbm4b:s1+s14], $0x1, v4, vm0, $0x4038;
	v4 =	vnsel vm6, $0xFFFFFFFE, v4;
	[tilespmem:$0x5B20] =	vst v63  }
0xa6: {  	s2 =	simm.s32 $0x0;
	s16 =	simm.s32 $0xAE0;
	[tilespmem:s17+$0x0] =	vst v4  }
.LBB3_6:
0xa7: {  	v4 =	vld.msk [tilespmem:s16+$0x0 ss:$0x1], $0xffff;
	s2 =	sadd.s32 $0x10, s2;
	v5 =	vmov v3;
	s17 =	smov.u32 s16  }
0xa8: {  	p0 =	slt.u32 s2, $0x9F0;
	_ =	sdelay $0x4  }
0xa9: {  	v3 =	vperm.xlane v4, v1;
	(xrf1) =	vunique.msk.u32 $0xffff, v4;
	_ =	sdelay $0xd  }
0xaa: {  	v6, _, _ =	vpop (xrf1)  }
0xab: {  	vm5 =	vne.s32 v4, v5;
	vm4 =	veq.s32 v6, v2  }
0xac: {  	vm6 =	vlt.u32 v4, $0xA000;
	vm4 =	vmand vm5, vm4  }
0xad: {  	vm4 =	vmand vm6, vm4  }
0xae: {  	v4 =	vnsel vm4, $0xFFFFFFFF, v4  }
.Ltmp9:
0xaf: {  	v5 =	vnsel vm6, $0xFFFFFFFE, v4;
	(pc) =	sbr.rel @p0 .LBB3_6-.Ltmp9, $3  }
0xb0: {  	_ =	sdelay $0x1  }
0xb1: {  	s16 =	sadd.s32 $0xFFFFFFF0, s16;
	s0 =	sadd.s32 $0xFFFFFFF0, s0;
	(ifvalue) =	ssetifvalue $0xFFFFFFFF  }
0xb2: {  	[tilespmem:s0], [sflag:$0x8] =	stream.indirect_vreg.gather [hbm4b:s1+s14], $0x1, v4, vm0, $0x4038;
	[tilespmem:s17+$0x0] =	vst v5  }
.Ltmp10:
0xb3: {  	(pc) =	sbr.rel .LBB3_4-.Ltmp10, $4  }
0xb4: {  	_ = 	snop  }
0xb5: {  	s0 =	sshrl.u32 s30, $0x3  }
0xb6: {  	s2 =	simm.s32 $0x3300;
	s0 =	sadd.s32 s8, s0  }
0xb7: {  	[tilespmem:s2], [sflag:$0x8] =	stream.linear.gather [hbm:s0], $0xA00, $0x38;
	[tilespmem:$0x5B20] =	vst v63  }
.LBB3_11:
0xb8: {  	p0 =	seq.s32 s29, $0x2  }
.Ltmp11:
0xb9: {  	_ = 	snop;
	(pc) =	sbr.rel @!p0 .LBB3_12-.Ltmp11, $1  }
0xba: {  	_ =	sdelay $0x3  }
0xbb: {  	_ =	swait.ge [sflag:s7], $0x1400  }
0xbc: {  	[sflag:s7] =	ssyncset.done $0x0  }
0xbd: {  	s0 =	simm.s32 $0xAFF;
	[sflag:s7] =	ssyncadd.s32 $0xFFFFEC00  }
0xbe: {  	[spmem:s11] =	stream.linear.scatter [tilespmem:s0], [sflag:$0x1], $0x1, $0x38;
	[tilespmem:$0x5B20] =	vst v63  }
0xbf: {  	_ =	swait.ge [sflag:s3], $0x1  }
0xc0: {  	[sflag:s3] =	ssyncset.done $0x0  }
0xc1: {  	[sflag:s3] =	ssyncadd.s32 $0xFFFFFFFF  }
0xc2: {  	v4 =	vld [tilespmem:$0x10]  }
0xc3: {  	v5 =	vld [tilespmem:$0x70]  }
0xc4: {  	v3 =	vld [tilespmem:$0x80];
	_ =	sdelay $0x2  }
0xc5: {  	(v2sf) =	vpush v4, $0x0  }
0xc6: {  	(v2sf) =	vpush v5, $0x0  }
0xc7: {  	(v2sf) =	vpush v3, $0x0;
	_ =	sdelay $0xc  }
0xc8: {  	s16 =	spop (v2sf)  }
0xc9: {  	s2 =	spop (v2sf)  }
0xca: {  	s30 =	spop (v2sf)  }
0xcb: {  	p0 =	seq.s32 s16, s2;
	p1 =	seq.s32 s30, s16  }
0xcc: {  	p1 =	por p0, p1  }
0xcd: {  	v4 =	vpsel p1, $0xFFFFFFFF, v4  }
0xce: {  	[tilespmem:s18+$0x0] =	vst.msk $0x1, v4  }
0xcf: {  	v4 =	vld [tilespmem:$0x30]  }
0xd0: {  	v5 =	vld [tilespmem:$0x3300]  }
0xd1: {  	v6 =	vld [tilespmem:$0x40];
	_ =	sdelay $0x3  }
0xd2: {  	vm4 =	vmmov vm1;
	v5 =	vadd.f32 v5, v4  }
0xd3: {  	vm5 =	vmmov vm2;
	s31 =	simm.s32 $0x3300;
	vm4 =	vmmov @p0 vm2;
	v4 =	vadd.f32 v6, v4  }
0xd4: {  	vm5 =	vmmov @p1 vm1;
	[tilespmem:s31+$0x0] =	vst.msk vm4, v5  }
0xd5: {  	[tilespmem:s19+$0x0] =	vst.msk vm5, v4  }
0xd6: {  	v4 =	vld [tilespmem:$0x28F0];
	_ =	sdelay $0x3  }
0xd7: {  	v5 =	vimm.f32 $0.0e+00  }
0xd8: {  	v4 =	vshift.insert v4, v5, s20;
	_ =	sdelay $0x1  }
0xd9: {  	[tilespmem:s21+$0x0] =	vst.msk $0x1, v4  }
0xda: {  	[tilespmem:s22+$0x0] =	vst.msk $0x1, v5  }
0xdb: {  	v4 =	vld [tilespmem:$0xAF0];
	_ =	sdelay $0x4  }
0xdc: {  	v4 =	vshift.insert v4, v1, s20;
	_ =	sdelay $0x1  }
0xdd: {  	[tilespmem:s23+$0x0] =	vst.msk $0x1, v4  }
0xde: {  	s17 =	simm.s32 $0x100;
	v6 =	vld [tilespmem:s31+$0x0]  }
0xdf: {  	v7 =	vld [tilespmem:s17+$0x0];
	_ =	sdelay $0x3  }
0xe0: {  	v5 =	vadd.f32 v6, v5  }
0xe1: {  	vm4 =	vne.s32 v7, $0xFFFFFFFF  }
0xe2: {  	(xrf2) =	vadd.seg.scan.f32 vm4, v5;
	_ =	sdelay $0x3  }
0xe3: {  	s0 =	simm.s32 $0x1F00;
	v5 =	vperm.xlane v4, v1  }
0xe4: {  	v6 =	vld [tilespmem:s0+$0x0]  }
0xe5: {  	vm5 =	veq.s32 v7, v3;
	vm6 =	veq.s32 v7, v5  }
0xe6: {  	vm7 =	vgt.u32 v7, $0xFFFFFFFD;
	vm6 =	vmor vm6, vm5  }
0xe7: {  	vm6 =	vmor vm6, vm7  }
0xe8: {  	v9 =	vld [tilespmem:$0xA0];
	v7 =	vsel vm6, $0xFFFFFFFF, v7  }
0xe9: {  	v10 =	vld [tilespmem:$0x90];
	v6 =	vsel vm5, $0x0, v6;
	v8, _, _ =	vpop (xrf2)  }
0xea: {  	v6 =	vadd.f32 v8, v6  }
0xeb: {  	s2 =	simm.s32 $0x4700  }
0xec: {  	vm4 =	vmand vm4, vm3;
	[tilespmem:s2+$0x0] =	vst v6;
	(ifvalue) =	ssetifvalue $0xFFFFFFFF  }
0xed: {  	vm6 =	veq.s32 v9, $0x1;
	[hbm4b:s1+s14] =	stream.indirect_vreg.scatter [tilespmem:s2], [sflag:$0x2], $0x1, v7, vm0, $0x4038;
	v7 =	vsel vm4, $0x0, v8;
	[tilespmem:$0x5B20] =	vst v63  }
0xee: {  	s16 =	simm.s32 $0x0;
	s17 =	simm.s32 $0x110;
	vm4 =	vmor vm6, vm5;
	v6 =	vsel vm5, v8, v10;
	v7 =	vshift.insert v7, v0, s20  }
.LBB3_9:
0xef: {  	v8 =	vld [tilespmem:s17+$0x0];
	s31 =	sadd.s32 $0x10, s31  }
0xf0: {  	s0 =	sadd.s32 $0x10, s0;
	v9 =	vld [tilespmem:s31+$0x0]  }
0xf1: {  	s16 =	sadd.s32 $0x10, s16;
	v10 =	vld [tilespmem:s0+$0x0]  }
0xf2: {  	p0 =	slt.u32 s16, $0x9F0;
	_ =	sdelay $0x2  }
0xf3: {  	v7 =	vadd.f32 v9, v7  }
0xf4: {  	vm5 =	vne.s32 v8, $0xFFFFFFFF  }
0xf5: {  	vm6 =	vmand vm5, vm3;
	(xrf2) =	vadd.seg.scan.f32 vm5, v7;
	_ =	sdelay $0x5  }
0xf6: {  	vm7 =	veq.s32 v8, v5;
	vm5 =	veq.s32 v8, v3  }
0xf7: {  	vm8 =	vgt.u32 v8, $0xFFFFFFFD;
	vm4 =	vmor vm4, vm5;
	vm7 =	vmor vm7, vm5  }
0xf8: {  	vm7 =	vmor vm7, vm8  }
0xf9: {  	v8 =	vsel vm7, $0xFFFFFFFF, v8  }
.Ltmp12:
0xfa: {  	v7 =	vsel vm5, $0x0, v10;
	v9, _, _ =	vpop (xrf2);
	(pc) =	sbr.rel @p0 .LBB3_9-.Ltmp12, $4  }
0xfb: {  	v6 =	vsel vm5, v9, v6;
	v10 =	vadd.f32 v9, v7;
	v7 =	vsel vm6, $0x0, v9  }
0xfc: {  	s2 =	sadd.s32 $0x10, s2;
	v7 =	vshift.insert v7, v0, s20  }
0xfd: {  	s17 =	sadd.s32 $0x10, s17;
	[tilespmem:s2+$0x0] =	vst v10;
	(ifvalue) =	ssetifvalue $0xFFFFFFFF  }
0xfe: {  	[hbm4b:s1+s14] =	stream.indirect_vreg.scatter [tilespmem:s2], [sflag:$0x2], $0x1, v8, vm0, $0x4038;
	[tilespmem:$0x5B20] =	vst v63  }
0xff: {  	v3 =	vld [tilespmem:$0x50F0];
	_ =	sdelay $0x4  }
0x100: {  	v3 =	vshift.insert v3, v0, s20;
	_ =	sdelay $0x1  }
0x101: {  	[tilespmem:s24+$0x0] =	vst.msk $0x1, v3  }
0x102: {  	v3 =	vsel vm4, $0x1, v1;
	[tilespmem:$0x90] =	vst v6  }
0x103: {  	[tilespmem:$0xA0] =	vst v3  }
0x104: {  	[spmem:s12] =	stream.linear.scatter [tilespmem:s25], [sflag:$0x1], $0x1, $0x38;
	[tilespmem:$0x5B20] =	vst v63  }
0x105: {  	v3 =	vmctz.xlane vm4;
	_ =	swait.ge [sflag:s3], $0x1  }
0x106: {  	(v2sf) =	vpush v4, $0x0  }
0x107: {  	(v2sf) =	vpush v3, $0x0;
	_ =	sdelay $0xd  }
0x108: {  	s0 =	spop (v2sf)  }
0x109: {  	s2 =	spop (v2sf)  }
0x10a: {  	[sflag:s3] =	ssyncset.done $0x0;
	p0 =	sne.s32 s30, s0;
	p1 =	slt.s32 s2, $0xF  }
0x10b: {  	[sflag:s3] =	ssyncadd.s32 $0xFFFFFFFF;
	v3 =	vimm.s32 @!p0 $0xFFFFFFFF;
	s2 =	simm.s32 @!p1 $0xF  }
0x10c: {  	[tilespmem:$0x80] =	vst @!p0 v3;
	s31 =	sadd.s32 $0x90, s2  }
0x10d: {  	[spmem:s10] =	stream.linear.scatter [tilespmem:s31], [sflag:$0x1], $0x1, $0x38;
	[tilespmem:$0x5B20] =	vst v63  }
0x10e: {  	_ =	swait.ge [sflag:s3], $0x1  }
0x10f: {  	[sflag:s3] =	ssyncset.done $0x0  }
0x110: {  	[sflag:s3] =	ssyncadd.s32 $0xFFFFFFFF  }
0x111: {  	[spmem:s13] =	stream.linear.scatter [tilespmem:s26], [sflag:$0x1], $0x1, $0x38;
	[tilespmem:$0x5B20] =	vst v63  }
0x112: {  	_ =	swait.ge [sflag:s3], $0x1  }
0x113: {  	[sflag:s3] =	ssyncset.done $0x0  }
0x114: {  	[sflag:s3] =	ssyncadd.s32 $0xFFFFFFFF;
	(ifvalue) =	ssetifvalue $0xFFFFFFFF;
	v3 =	vld [tilespmem:$0x10];
	_ =	sdelay $0x3  }
.Ltmp13:
0x115: {  	_ = 	snop;
	(pc) =	sbr.rel .LBB3_4-.Ltmp13, $3  }
0x116: {  	_ =	sdelay $0x1  }
0x117: {  	(ifvalue) =	ssetifvalue $0xFFFFFFFF  }
0x118: {  	[hbm4b:s1+s14] =	stream.indirect_vreg.scatter [tilespmem:s19], [sflag:$0x9], $0x1, v3, vm0, $0x4038;
	[tilespmem:$0x5B20] =	vst v63  }
.LBB3_12:
0x119: {  	s0 =	simm.s32 $0x2  }
0x11a: {  	_ =	swait.ge [sflag:s0], $0xA00  }
0x11b: {  	[sflag:s0] =	ssyncset.done $0x0  }
0x11c: {  	s31 =	simm.s32 $0x9;
	[sflag:s0] =	ssyncadd.s32 $0xFFFFF600  }
0x11d: {  	_ =	swait.ge [sflag:s31], $0x10  }
0x11e: {  	[sflag:s31] =	ssyncset.done $0x0  }
0x11f: {  	[sflag:s31] =	ssyncadd.s32 $0xFFFFFFF0  }
.LBB3_13:
0x120: {  	_ =	sfence.sel $0x180000  }
0x121: {  	s0 =	simm.s32 $0x7;
	[bflag:$0x0] =	sbarrier.arrive $0xFFFF  }
0x122: {  	s26 =	simm.s32 $0x8;
	[sflag:s0] =	ssyncpa.u1 $0x1  }
0x123: {  	s28 =	simm.s32 $0x9;
	[sflag:s26] =	ssyncpa.u1 $0x1  }
0x124: {  	[sflag:s28] =	ssyncpa.u1 $0x1  }
0x125: {  	_ =	sfence.stream.spmem  }
0x126: {  	s29 =	simm.s32 $0x3;
	[bflag:$0x0] =	sbarrier.arrive $0xFFFF  }
0x127: {  	s30 =	simm.s32 $0x4;
	[sflag:s29] =	ssyncpa.u1 $0x1  }
0x128: {  	s31 =	simm.s32 $0x3C;
	s2 =	stileid.u32;
	[sflag:s30] =	ssyncpa.u1 $0x1  }
0x129: {  	p0 =	sne.s32 s2, $0x0;
	[sflag:s31] =	ssyncpa.u1 $0x1  }
0x12a: {  	s0 =	simm.s32 @p0 $0x1;
	_ =	sfence @p0  }
0x12b: {  	[sflag:s0] =	ssyncpa.u1 @p0 $0x1;
	s0 =	simm.s32 @p0 $0x2  }
0x12c: {  	[sflag:s0] =	ssyncpa.u1 @p0 $0x1  }
0x12d: {  	_ =	strace @p0 $0x9000004A  }
0x12e: {  	[bflag:$0x2] =	sbarrier.arrive @p0 $0xFFFF  }
0x12f: {  	_ =	shalt @p0  }
.LBB3_14:
0x130: {  	_ =	sfence.stream.spmem;
	s0 =	simm.s32 $0x5  }
0x131: {  	s2 =	simm.s32 $0x80;
	s3 =	simm.s32 $0xC0;
	[sflag:s0] =	ssyncpa.u1 $0x0  }
0x132: {  	[tilespmem:s3], [sflag:$0x5] =	stream.linear.gather [spmem:s2], $0x20, $0x38;
	[tilespmem:$0x5B20] =	vst v63  }
0x133: {  	s2 =	simm.s32 $0x0;
	s3 =	simm.s32 $0xE0  }
0x134: {  	[tilespmem:s3], [sflag:$0x5] =	stream.linear.gather [spmem:s2], $0x20, $0x38;
	[tilespmem:$0x5B20] =	vst v63  }
.Ltmp14:
0x135: {  	_ = 	snop;
	(pc) =	sbr.rel .LBB3_15-.Ltmp14, $4  }
0x136: {  	_ =	swait.ge [sflag:s0], $0x40  }
0x137: {  	[sflag:s0] =	ssyncset.done $0x0  }
0x138: {  	s31 =	simm.s32 $0x6;
	[sflag:s0] =	ssyncadd.s32 $0xFFFFFFC0  }
0x139: {  	s4 =	simm.s32 $0x0;
	[sflag:s31] =	ssyncpa.u1 $0x0  }
.LBB3_20:
0x13a: {  	p0 =	sgt.u32 s0, $0x9FFF  }
0x13b: {  	s5 =	sshrl.u32 @!p0 s0, $0x3  }
0x13c: {  	s0 =	sand.u32 @!p0 $0x7, s0;
	s6 =	simm.s32 @!p0 $0xB0;
	s5 =	sadd.s32 @!p0 s1, s5  }
0x13d: {  	[tilespmem:s6], [sflag:$0x6] =	stream.linear.gather @!p0 [hbm4b:s5+s0], $0x1, $0x38;
	[tilespmem:$0x5B20] =	vst v63  }
0x13e: {  	s0 =	simm.s32 @!p0 $0x6  }
0x13f: {  	_ =	swait.ge @!p0 [sflag:s0], $0x1  }
0x140: {  	[sflag:s0] =	ssyncset.done @!p0 $0x0  }
0x141: {  	[sflag:s0] =	ssyncadd.s32 @!p0 $0xFFFFFFFF  }
0x142: {  	v2 =	vmov @!p0 s4;
	v1 =	vld.msk @!p0 [tilespmem:$0xB0], $0x1;
	_ =	sdelay $0x3  }
0x143: {  	s0 =	simm.s32 @!p0 $0xE0  }
0x144: {  	[tilespmem:v2+s0+$0x0], v1 =	vst.idx.ret.add.f32.msk @!p0 $0x1, v1  }
0x145: {  	[tilespmem:s2+$0xC0] =	vst.msk $0x1, v0  }
0x146: {  	v0 =	vld.msk [tilespmem:s4+$0xE0], $0x1;
	_ =	sdelay $0x4  }
0x147: {  	[tilespmem:s2+$0xE0] =	vst.msk $0x1, v0;
	s2 =	sadd.s32 $0x1, s2  }
.LBB3_22:
0x148: {  	s4 =	sadd.s32 $0x1, s4  }
0x149: {  	p0 =	sne.s32 s4, $0x20  }
.Ltmp15:
0x14a: {  	_ = 	snop;
	(pc) =	sbr.rel @!p0 .LBB3_23-.Ltmp15, $1  }
0x14b: {  	_ =	sdelay $0x3  }
.LBB3_15:
0x14c: {  	v0 =	vld.msk [tilespmem:s4+$0xC0], $0x1;
	_ =	sdelay $0x4  }
0x14d: {  	(v2sf) =	vpush v0, $0x0;
	_ =	sdelay $0xe  }
0x14e: {  	s0 =	spop (v2sf)  }
0x14f: {  	p0 =	seq.s32 s0, $0xFFFFFFFF  }
.Ltmp16:
0x150: {  	_ = 	snop;
	(pc) =	sbr.rel @p0 .LBB3_22-.Ltmp16, $1  }
0x151: {  	_ =	sdelay $0x3  }
0x152: {  	p0 =	slt.s32 s2, $0x1  }
.Ltmp17:
0x153: {  	_ = 	snop;
	(pc) =	sbr.rel @p0 .LBB3_20-.Ltmp17, $1  }
0x154: {  	_ =	sdelay $0x3  }
0x155: {  	s5 =	simm.s32 $0xC0;
	p0 =	por $0x0, $0x0  }
0x156: {  	v1 =	vld.msk @!p0 [tilespmem:s5+$0x0], $0x1;
	_ =	sdelay $0x4  }
0x157: {  	(v2sf) =	vpush @!p0 v1, $0x0;
	_ =	sdelay $0xd  }
0x158: {  	p2 =	sne.s32 s2, $0x1  }
.Ltmp18:
0x159: {  	s6 =	spop @!p0 (v2sf);
	(pc) =	sbr.rel @!p2 .LBB3_19-.Ltmp18, $4  }
0x15a: {  	p1 =	seq.s32 @!p0 s0, s6  }
0x15b: {  	s6 =	simm.s32 $0x0;
	p1 =	por !p1, p0  }
0x15c: {  	s8 =	simm.s32 $0xFFFFFFFF;
	s6 =	simm.s32 @p1 $0xFFFFFFFF  }
0x15d: {  	s7 =	simm.s32 $0x1;
	s6 =	smov.u32 @p0 s8  }
.LBB3_18:
0x15e: {  	s8 =	smov.u32 s6;
	p0 =	sne.s32 s6, $0xFFFFFFFF  }
0x15f: {  	s5 =	sadd.s32 $0x1, s5;
	s6 =	smov.u32 s7;
	s7 =	sadd.s32 $0x1, s7  }
0x160: {  	p1 =	sne.s32 s2, s7;
	v1 =	vld.msk @!p0 [tilespmem:s5+$0x0], $0x1;
	_ =	sdelay $0x4  }
0x161: {  	(v2sf) =	vpush @!p0 v1, $0x0;
	_ =	sdelay $0xe  }
.Ltmp19:
0x162: {  	s9 =	spop @!p0 (v2sf);
	(pc) =	sbr.rel @p1 .LBB3_18-.Ltmp19, $4  }
0x163: {  	p2 =	seq.s32 @!p0 s0, s9  }
0x164: {  	p2 =	por !p2, p0  }
0x165: {  	s6 =	simm.s32 @p2 $0xFFFFFFFF  }
0x166: {  	s6 =	smov.u32 @p0 s8  }
.LBB3_19:
0x167: {  	p0 =	sne.s32 s6, $0xFFFFFFFF  }
.Ltmp20:
0x168: {  	_ = 	snop;
	(pc) =	sbr.rel @!p0 .LBB3_20-.Ltmp20, $1  }
0x169: {  	_ =	sdelay $0x3  }
0x16a: {  	v0 =	vld.msk [tilespmem:s4+$0xE0], $0x1;
	v1 =	vmov s6  }
.Ltmp21:
0x16b: {  	_ = 	snop;
	(pc) =	sbr.rel .LBB3_22-.Ltmp21, $2  }
0x16c: {  	_ =	sdelay $0x2  }
0x16d: {  	[tilespmem:v1+s3+$0x0], v0 =	vst.idx.ret.add.f32.msk $0x1, v0  }
.LBB3_23:
0x16e: {  	p0 =	slt.s32 s2, $0x1  }
.Ltmp22:
0x16f: {  	_ = 	snop;
	(pc) =	sbr.rel @p0 .LBB3_27-.Ltmp22, $3  }
0x170: {  	_ =	sdelay $0x1  }
0x171: {  	s0 =	simm.s32 $0x6  }
0x172: {  	[sflag:s0] =	ssyncpa.u1 $0x1;
	s0 =	simm.s32 $0x0  }
0x173: {  	s3 =	simm.s32 $0xC0  }
0x174: {  	v0 =	vld.msk [tilespmem:s3+$0x0], $0x1;
	_ =	sdelay $0x4  }
0x175: {  	(v2sf) =	vpush v0, $0x0;
	_ =	sdelay $0xe  }
0x176: {  	s2 =	sadd.s32 $0xFFFFFFFF, s2;
	s4 =	spop (v2sf)  }
0x177: {  	p1 =	sne.s32 s2, $0x0;
	p0 =	sgt.u32 s4, $0x9FFF  }
.Ltmp23:
0x178: {  	s5 =	sshrl.u32 @!p0 s4, $0x3;
	(pc) =	sbr.rel @!p1 .LBB3_26-.Ltmp23, $4  }
0x179: {  	s3 =	simm.s32 $0xE0;
	s4 =	sand.u32 @!p0 $0x7, s4;
	s5 =	sadd.s32 @!p0 s1, s5  }
0x17a: {  	[hbm4b:s5+s4] =	stream.linear.scatter @!p0 [tilespmem:s3], [sflag:$0x5], $0x1, $0x38;
	[tilespmem:$0x5B20] =	vst v63  }
0x17b: {  	s5 =	simm.s32 $0x0  }
0x17c: {  	s4 =	simm.s32 $0xC1;
	s5 =	simm.s32 @!p0 $0x4  }
.LBB3_25:
0x17d: {  	v0 =	vld.msk [tilespmem:s4+$0x0], $0x1;
	s2 =	sadd.s32 $0xFFFFFFFF, s2;
	s0 =	sadd.s32 s0, s5  }
0x17e: {  	p0 =	sne.s32 s2, $0x0;
	_ =	sdelay $0x3  }
0x17f: {  	(v2sf) =	vpush v0, $0x0;
	_ =	sdelay $0xe  }
.Ltmp24:
0x180: {  	s6 =	spop (v2sf);
	(pc) =	sbr.rel @p0 .LBB3_25-.Ltmp24, $4  }
0x181: {  	s5 =	simm.s32 $0x0;
	p1 =	sgt.u32 s6, $0x9FFF  }
0x182: {  	s3 =	sadd.s32 $0x1, s3;
	s5 =	simm.s32 @!p1 $0x4;
	s7 =	sshrl.u32 @!p1 s6, $0x3  }
0x183: {  	s4 =	sadd.s32 $0x1, s4;
	s6 =	sand.u32 @!p1 $0x7, s6;
	s7 =	sadd.s32 @!p1 s1, s7  }
0x184: {  	[hbm4b:s7+s6] =	stream.linear.scatter @!p1 [tilespmem:s3], [sflag:$0x5], $0x1, $0x38;
	[tilespmem:$0x5B20] =	vst v63  }
.LBB3_26:
0x185: {  	s0 =	sadd.s32 s0, s5  }
0x186: {  	s0 =	sshrl.u32 s0, $0x2  }
.LBB3_27:
0x187: {  	s1 =	simm.s32 $0x5  }
0x188: {  	_ =	swait.ge [sflag:s1], s0  }
0x189: {  	s28 =	ssub.s32 $0x0, s0;
	[sflag:s1] =	ssyncset.done $0x0  }
0x18a: {  	[sflag:s1] =	ssyncadd.s32 s28  }
0x18b: {  	[sflag:s1] =	ssyncpa.u1 $0x1  }
0x18c: {  	s29 =	simm.s32 $0x1;
	_ =	sfence  }
0x18d: {  	s30 =	simm.s32 $0x2;
	[sflag:s29] =	ssyncpa.u1 $0x1  }
0x18e: {  	[sflag:s30] =	ssyncpa.u1 $0x1  }
0x18f: {  	_ =	strace $0x9000004A  }
0x190: {  	[bflag:$0x2] =	sbarrier.arrive $0xFFFF  }
0x191: {  	s31 =	rddreg [dreg:$0x1]  }
0x192: {  	s0 =	sadd.s32 $0x100000, s31  }
0x193: {  	[sflag:s0] =	ssyncadd.tile.s32 $0x1;
	_ =	shalt  }
.Lfunc_end3:
_tile_overlayer_lowered:
.L_overlay_start_3:
0x194: {  	(tag) =	ssettag $0x3  }
0x195: {  	s0 =	rddreg [dreg:$0x0];
	s2 =	stileid.u32  }
0x196: {  	s1 =	rddreg [dreg:$0x1];
	p0 =	sne.s32 s2, $0x0  }
0x197: {  	s3 =	rddreg [dreg:$0x2];
	[bflag:$0x3] =	sbarrier.arrive $0xFFFF;
	s2 =	simm.s32 @!p0 $0x1C01  }
0x198: {  	[timem:s3], [sflag:s2] =	dma.local @!p0 [hbm:s0], s1  }
0x199: {  	s0 =	simm.s32 @!p0 $0x1  }
0x19a: {  	_ =	swait.ge @!p0 [sflag:s0], s1  }
0x19b: {  	s1 =	ssub.s32 @!p0 $0x0, s1;
	[sflag:s0] =	ssyncset.done @!p0 $0x0  }
0x19c: {  	[sflag:s0] =	ssyncadd.s32 @!p0 s1  }
0x19d: {  	[bflag:$0x3] =	sbarrier.arrive $0xFFFF  }
0x19e: {  	_ =	shalt  }

</sc_bundles>
